<compile_context>
chip_gen: v7x
topology: tpu7x:2x2x1
jax: 0.10.2.dev20260603
libtpu: 0.0.44.dev20260713+nightly
codegen_flags: <defaults>
</compile_context>

<pallas_src>
import functools

import jax
import jax.numpy as jnp
from jax import lax
from jax.experimental import pallas as pl
from jax.experimental.pallas import tpu as pltpu
from jax.experimental.pallas import tpu_sc as plsc

USER_NUM = 1000000
ITEM_NUM = 100000
BATCH = 16384
VALUE_RANGE = 8.0
A_RANGE = 4.0
D_CONST = 1.702

NC = 2
NS = 16
L = 16
NW = NC * NS
B_PER_W = BATCH // NW
CHUNK = 128
NCHUNK = B_PER_W // CHUNK


def _abc_body(item_hbm, a_hbm, b_hbm, c_hbm, out_hbm,
              iidx_v, abc_v, sem0, sem1, sem2, sem3, semo):
    wid = lax.axis_index("s") * NC + lax.axis_index("c")
    sems = (sem0, sem1, sem2, sem3)
    tabs = (a_hbm, b_hbm, c_hbm)

    pltpu.async_copy(item_hbm.at[wid], iidx_v, sem0).wait()

    copies = []
    for j in range(NCHUNK):
        for t in range(3):
            dst = pl.ds(t * B_PER_W + j * CHUNK, CHUNK)
            copies.append(
                pltpu.async_copy(tabs[t].at[iidx_v.at[j]], abc_v.at[dst], sems[j]))
    for cp in copies:
        cp.wait()

    pltpu.async_copy(
        abc_v, out_hbm.at[pl.ds(wid * 3 * B_PER_W, 3 * B_PER_W)], semo).wait()


@functools.partial(
    pl.kernel,
    mesh=plsc.VectorSubcoreMesh(core_axis_name="c", subcore_axis_name="s"),
    out_type=jax.ShapeDtypeStruct((3 * BATCH,), jnp.float32),
    scratch_types=[
        pltpu.VMEM((NCHUNK, CHUNK), jnp.int32),
        pltpu.VMEM((3 * B_PER_W,), jnp.float32),
        pltpu.SemaphoreType.DMA,
        pltpu.SemaphoreType.DMA,
        pltpu.SemaphoreType.DMA,
        pltpu.SemaphoreType.DMA,
        pltpu.SemaphoreType.DMA,
    ],
)
def _abc_gather_kernel(item, a_tab, b_tab, c_tab, out, *scratch):
    _abc_body(item, a_tab, b_tab, c_tab, out, *scratch)


def _irt_body(user_hbm, abc_hbm, fair_hbm, theta_hbm, out_hbm,
              uidx_v, abc_v, th_v, res_v, fair_v,
              sem0, sem1, sem2, sem3, semf, semo):
    wid = lax.axis_index("s") * NC + lax.axis_index("c")
    sems = (sem0, sem1, sem2, sem3)

    ucp = pltpu.async_copy(user_hbm.at[wid], uidx_v, sem0)
    acp = pltpu.async_copy(
        abc_hbm.at[pl.ds(wid * 3 * B_PER_W, 3 * B_PER_W)], abc_v, semf)

    ucp.wait()
    copies = []
    for j in range(NCHUNK):
        dst = pl.ds(j * CHUNK, CHUNK)
        copies.append(
            pltpu.async_copy(theta_hbm.at[uidx_v.at[j]], th_v.at[dst], sems[j]))

    fcp = pltpu.async_copy(fair_hbm, fair_v, semf)
    acp.wait()
    fcp.wait()
    fair_ne0 = fair_v[...] != 0

    out_cps = []
    for j in range(NCHUNK):
        copies[j].wait()

        @plsc.parallel_loop(j * CHUNK, (j + 1) * CHUNK, step=L, unroll=2)
        def _compute(i):
            sl = pl.ds(i, L)
            sig_t = 1.0 / (1.0 + jnp.exp(-th_v[sl]))
            theta = VALUE_RANGE * (sig_t - 0.5)
            a = A_RANGE / (1.0 + jnp.exp(-abc_v[pl.ds(i, L)]))
            b = VALUE_RANGE / (1.0 + jnp.exp(-abc_v[pl.ds(B_PER_W + i, L)])) - 4.0
            ez = jnp.exp(-D_CONST * a * (theta - b))
            u = 1.0 + jnp.exp(-abc_v[pl.ds(2 * B_PER_W + i, L)])
            irf = (ez + u) / (u * (1.0 + ez))
            res_v[sl] = jnp.where(fair_ne0, sig_t, irf)

        dst = pl.ds(j * CHUNK, CHUNK)
        out_cps.append(
            pltpu.async_copy(res_v.at[dst], out_hbm.at[wid].at[dst], semo))
    for cp in out_cps:
        cp.wait()


@functools.partial(
    pl.kernel,
    mesh=plsc.VectorSubcoreMesh(core_axis_name="c", subcore_axis_name="s"),
    out_type=jax.ShapeDtypeStruct((NW, B_PER_W), jnp.float32),
    scratch_types=[
        pltpu.VMEM((NCHUNK, CHUNK), jnp.int32),
        pltpu.VMEM((3 * B_PER_W,), jnp.float32),
        pltpu.VMEM((B_PER_W,), jnp.float32),
        pltpu.VMEM((B_PER_W,), jnp.float32),
        pltpu.VMEM((L,), jnp.int32),
        pltpu.SemaphoreType.DMA,
        pltpu.SemaphoreType.DMA,
        pltpu.SemaphoreType.DMA,
        pltpu.SemaphoreType.DMA,
        pltpu.SemaphoreType.DMA,
        pltpu.SemaphoreType.DMA,
    ],
)
def _irt_kernel(user, abc, fair, theta_tab, out, *scratch):
    _irt_body(user, abc, fair, theta_tab, out, *scratch)


def kernel(user, item, fairness, theta_table, a_table, b_table, c_table):
    user3 = user.reshape(NW, NCHUNK, CHUNK)
    item3 = item.reshape(NW, NCHUNK, CHUNK)
    fair_vec = jnp.broadcast_to(
        jnp.asarray(fairness, jnp.int32).reshape(()), (L,))
    abc = _abc_gather_kernel(
        item3,
        a_table.reshape(ITEM_NUM),
        b_table.reshape(ITEM_NUM),
        c_table.reshape(ITEM_NUM),
    )
    out = _irt_kernel(user3, abc, fair_vec, theta_table.reshape(USER_NUM))
    return out.reshape(BATCH)

# --- scband reference (transcript-rebuilt; emitter-appended) ---
"""Pipeline reference for scband-irtnet-26577257627897 (READ-ONLY COPY).

The authoritative reference and input builder live on the scoring server;
editing this copy changes nothing except your own understanding.
"""

import jax, jax.numpy as jnp
import numpy as np

USER_NUM = 1000000
ITEM_NUM = 100000
BATCH = 16384
VALUE_RANGE = 8.0
A_RANGE = 4.0
D_CONST = 1.702


def setup_inputs(seed: int = 0) -> dict:
    key = jax.random.key(seed)
    k1, k2, k3, k4, k5, k6 = jax.random.split(key, 6)
    user = jax.random.randint(k1, (BATCH,), 0, USER_NUM, dtype=jnp.int32)
    item = jax.random.randint(k2, (BATCH,), 0, ITEM_NUM, dtype=jnp.int32)
    theta_table = jax.random.normal(k3, (USER_NUM, 1), dtype=jnp.float32)
    a_table = jax.random.normal(k4, (ITEM_NUM, 1), dtype=jnp.float32)
    b_table = jax.random.normal(k5, (ITEM_NUM, 1), dtype=jnp.float32)
    c_table = jax.random.normal(k6, (ITEM_NUM, 1), dtype=jnp.float32)
    return {
        'user': user,
        'item': item,
        'fairness': 0,
        'theta_table': theta_table,
        'a_table': a_table,
        'b_table': b_table,
        'c_table': c_table,
    }


def _irf(theta, a, b, c, D=D_CONST):
    return c + (1.0 - c) / (1.0 + jnp.exp(-D * a * (theta - b)))


def reference(user, item, fairness, theta_table, a_table, b_table, c_table):
    theta = jnp.squeeze(jnp.take(theta_table, user, axis=0), axis=-1)
    a = jnp.squeeze(jnp.take(a_table, item, axis=0), axis=-1)
    b = jnp.squeeze(jnp.take(b_table, item, axis=0), axis=-1)
    c = jnp.squeeze(jnp.take(c_table, item, axis=0), axis=-1)
    c = jax.nn.sigmoid(c)
    fair_out = jax.nn.sigmoid(theta)
    theta = VALUE_RANGE * (jax.nn.sigmoid(theta) - 0.5)
    b = VALUE_RANGE * (jax.nn.sigmoid(b) - 0.5)
    a = A_RANGE * jax.nn.sigmoid(a)
    return jnp.where(fairness != 0, fair_out, _irf(theta, a, b, c))

if __name__ == "__main__":
    import jax
    _d = setup_inputs()
    print(jax.jit(kernel)(*tuple(_d.values())))

</pallas_src>

<mosaic_0001>
#map = affine_map<(d0, d1) -> (0, 0, 0)>
#map1 = affine_map<(d0, d1) -> (0)>
#map2 = affine_map<(d0, d1) -> (0, 0)>
module attributes {stable_mosaic.version = 14 : i64} {
  func.func @_irt_kernel(%arg0: i32, %arg1: i32, %arg2: memref<32x4x128xi32, #tpu.memory_space<hbm>>, %arg3: memref<49152xf32, #tpu.memory_space<hbm>>, %arg4: memref<16xi32, #tpu.memory_space<hbm>>, %arg5: memref<1000000xf32, #tpu.memory_space<hbm>>, %arg6: memref<32x512xf32, #tpu.memory_space<hbm>>, %arg7: memref<4x128xi32, #tpu.memory_space<vmem>>, %arg8: memref<1536xf32, #tpu.memory_space<vmem>>, %arg9: memref<512xf32, #tpu.memory_space<vmem>>, %arg10: memref<512xf32, #tpu.memory_space<vmem>>, %arg11: memref<16xi32, #tpu.memory_space<vmem>>, %arg12: memref<!tpu.dma_semaphore, #tpu.memory_space<semaphore_mem>>, %arg13: memref<!tpu.dma_semaphore, #tpu.memory_space<semaphore_mem>>, %arg14: memref<!tpu.dma_semaphore, #tpu.memory_space<semaphore_mem>>, %arg15: memref<!tpu.dma_semaphore, #tpu.memory_space<semaphore_mem>>, %arg16: memref<!tpu.dma_semaphore, #tpu.memory_space<semaphore_mem>>, %arg17: memref<!tpu.dma_semaphore, #tpu.memory_space<semaphore_mem>>) attributes {dimension_semantics = [#tpu.dimension_semantics<core_parallel>, #tpu.dimension_semantics<subcore_parallel>], iteration_bounds = array<i64: 2, 16>, scalar_prefetch = 0 : i64, scratch_operands = 11 : i64, tpu.core_type = #tpu.core_type<sc_vector_subcore>, window_params = [{transform_indices = #map}, {transform_indices = #map1}, {transform_indices = #map1}, {transform_indices = #map1}, {transform_indices = #map2}]} {
    %mul3A = arith.constant 2 : i32
    %mul3A_0 = arith.muli %arg1, %mul3A : i32
    %add3A = arith.addi %mul3A_0, %arg0 : i32
    %dma_start3A = arith.constant 0 : i32
    %dma_start3A_1 = arith.constant 0 : i32
    %dma_start3A_2 = tpu.memref_slice %arg2[%add3A, %dma_start3A, %dma_start3A_1] : memref<32x4x128xi32, #tpu.memory_space<hbm>> -> memref<1x4x128xi32, #tpu.memory_space<hbm>>
    %dma_start3A_3 = tpu.memref_squeeze %dma_start3A_2 : memref<1x4x128xi32, #tpu.memory_space<hbm>> -> memref<4x128xi32, #tpu.memory_space<hbm>>
    %dma_start3A_4 = arith.constant 0 : i32
    %dma_start3A_5 = arith.constant 0 : i32
    %dma_start3A_6 = tpu.memref_slice %arg2[%add3A, %dma_start3A_4, %dma_start3A_5] : memref<32x4x128xi32, #tpu.memory_space<hbm>> -> memref<1x4x128xi32, #tpu.memory_space<hbm>>
    %dma_start3A_7 = tpu.memref_squeeze %dma_start3A_6 : memref<1x4x128xi32, #tpu.memory_space<hbm>> -> memref<4x128xi32, #tpu.memory_space<hbm>>
    tpu.enqueue_dma source(%dma_start3A_7 : memref<4x128xi32, #tpu.memory_space<hbm>>) target(%arg7 : memref<4x128xi32, #tpu.memory_space<vmem>>) target_semaphore(%arg12 : memref<!tpu.dma_semaphore, #tpu.memory_space<semaphore_mem>>)
    %mul3A_8 = arith.constant 3 : i32
    %mul3A_9 = arith.muli %add3A, %mul3A_8 : i32
    %mul3A_10 = arith.constant 512 : i32
    %mul3A_11 = arith.muli %mul3A_9, %mul3A_10 : i32
    %dma_start3A_12 = tpu.memref_slice %arg3[%mul3A_11] : memref<49152xf32, #tpu.memory_space<hbm>> -> memref<1536xf32, #tpu.memory_space<hbm>>
    %dma_start3A_13 = tpu.memref_slice %arg3[%mul3A_11] : memref<49152xf32, #tpu.memory_space<hbm>> -> memref<1536xf32, #tpu.memory_space<hbm>>
    tpu.enqueue_dma source(%dma_start3A_13 : memref<1536xf32, #tpu.memory_space<hbm>>) target(%arg8 : memref<1536xf32, #tpu.memory_space<vmem>>) target_semaphore(%arg16 : memref<!tpu.dma_semaphore, #tpu.memory_space<semaphore_mem>>)
    %dma_wait3A = arith.constant 0 : i32
    %dma_wait3A_14 = arith.constant 0 : i32
    %dma_wait3A_15 = tpu.memref_slice %arg2[%add3A, %dma_wait3A, %dma_wait3A_14] : memref<32x4x128xi32, #tpu.memory_space<hbm>> -> memref<1x4x128xi32, #tpu.memory_space<hbm>>
    %dma_wait3A_16 = tpu.memref_squeeze %dma_wait3A_15 : memref<1x4x128xi32, #tpu.memory_space<hbm>> -> memref<4x128xi32, #tpu.memory_space<hbm>>
    %dma_wait3A_17 = arith.constant 0 : i32
    %dma_wait3A_18 = arith.constant 0 : i32
    %dma_wait3A_19 = tpu.memref_slice %arg2[%add3A, %dma_wait3A_17, %dma_wait3A_18] : memref<32x4x128xi32, #tpu.memory_space<hbm>> -> memref<1x4x128xi32, #tpu.memory_space<hbm>>
    %dma_wait3A_20 = tpu.memref_squeeze %dma_wait3A_19 : memref<1x4x128xi32, #tpu.memory_space<hbm>> -> memref<4x128xi32, #tpu.memory_space<hbm>>
    tpu.wait_dma2 semaphore(%arg12 : memref<!tpu.dma_semaphore, #tpu.memory_space<semaphore_mem>>) src(%dma_wait3A_20 : memref<4x128xi32, #tpu.memory_space<hbm>>) dst(%arg7 : memref<4x128xi32, #tpu.memory_space<vmem>>)
    %dma_start3A_21 = arith.constant 0 : i32
    %dma_start3A_22 = arith.constant 0 : i32
    %dma_start3A_23 = tpu.memref_slice %arg9[%dma_start3A_22] : memref<512xf32, #tpu.memory_space<vmem>> -> memref<128xf32, #tpu.memory_space<vmem>>
    %dma_start3A_24 = arith.constant 0 : i32
    %dma_start3A_25 = tpu.memref_slice %arg7[%dma_start3A_21, %dma_start3A_24] : memref<4x128xi32, #tpu.memory_space<vmem>> -> memref<1x128xi32, #tpu.memory_space<vmem>>
    %dma_start3A_26 = tpu.memref_squeeze %dma_start3A_25 : memref<1x128xi32, #tpu.memory_space<vmem>> -> memref<128xi32, #tpu.memory_space<vmem>>
    %dma_start3A_27 = arith.constant 0 : i32
    %dma_start3A_28 = tpu.memref_slice %arg5[%dma_start3A_27] : memref<1000000xf32, #tpu.memory_space<hbm>> -> memref<1000000xf32, #tpu.memory_space<hbm>>
    tpu.enqueue_indirect_dma source(%dma_start3A_28 : memref<1000000xf32, #tpu.memory_space<hbm>>) target(%dma_start3A_23 : memref<128xf32, #tpu.memory_space<vmem>>) offsets(%dma_start3A_26 : memref<128xi32, #tpu.memory_space<vmem>>) semaphore(%arg12 : memref<!tpu.dma_semaphore, #tpu.memory_space<semaphore_mem>>)
    %dma_start3A_29 = arith.constant 1 : i32
    %dma_start3A_30 = arith.constant 128 : i32
    %dma_start3A_31 = tpu.memref_slice %arg9[%dma_start3A_30] : memref<512xf32, #tpu.memory_space<vmem>> -> memref<128xf32, #tpu.memory_space<vmem>>
    %dma_start3A_32 = arith.constant 0 : i32
    %dma_start3A_33 = tpu.memref_slice %arg7[%dma_start3A_29, %dma_start3A_32] : memref<4x128xi32, #tpu.memory_space<vmem>> -> memref<1x128xi32, #tpu.memory_space<vmem>>
    %dma_start3A_34 = tpu.memref_squeeze %dma_start3A_33 : memref<1x128xi32, #tpu.memory_space<vmem>> -> memref<128xi32, #tpu.memory_space<vmem>>
    %dma_start3A_35 = arith.constant 0 : i32
    %dma_start3A_36 = tpu.memref_slice %arg5[%dma_start3A_35] : memref<1000000xf32, #tpu.memory_space<hbm>> -> memref<1000000xf32, #tpu.memory_space<hbm>>
    tpu.enqueue_indirect_dma source(%dma_start3A_36 : memref<1000000xf32, #tpu.memory_space<hbm>>) target(%dma_start3A_31 : memref<128xf32, #tpu.memory_space<vmem>>) offsets(%dma_start3A_34 : memref<128xi32, #tpu.memory_space<vmem>>) semaphore(%arg13 : memref<!tpu.dma_semaphore, #tpu.memory_space<semaphore_mem>>)
    %dma_start3A_37 = arith.constant 2 : i32
    %dma_start3A_38 = arith.constant 256 : i32
    %dma_start3A_39 = tpu.memref_slice %arg9[%dma_start3A_38] : memref<512xf32, #tpu.memory_space<vmem>> -> memref<128xf32, #tpu.memory_space<vmem>>
    %dma_start3A_40 = arith.constant 0 : i32
    %dma_start3A_41 = tpu.memref_slice %arg7[%dma_start3A_37, %dma_start3A_40] : memref<4x128xi32, #tpu.memory_space<vmem>> -> memref<1x128xi32, #tpu.memory_space<vmem>>
    %dma_start3A_42 = tpu.memref_squeeze %dma_start3A_41 : memref<1x128xi32, #tpu.memory_space<vmem>> -> memref<128xi32, #tpu.memory_space<vmem>>
    %dma_start3A_43 = arith.constant 0 : i32
    %dma_start3A_44 = tpu.memref_slice %arg5[%dma_start3A_43] : memref<1000000xf32, #tpu.memory_space<hbm>> -> memref<1000000xf32, #tpu.memory_space<hbm>>
    tpu.enqueue_indirect_dma source(%dma_start3A_44 : memref<1000000xf32, #tpu.memory_space<hbm>>) target(%dma_start3A_39 : memref<128xf32, #tpu.memory_space<vmem>>) offsets(%dma_start3A_42 : memref<128xi32, #tpu.memory_space<vmem>>) semaphore(%arg14 : memref<!tpu.dma_semaphore, #tpu.memory_space<semaphore_mem>>)
    %dma_start3A_45 = arith.constant 3 : i32
    %dma_start3A_46 = arith.constant 384 : i32
    %dma_start3A_47 = tpu.memref_slice %arg9[%dma_start3A_46] : memref<512xf32, #tpu.memory_space<vmem>> -> memref<128xf32, #tpu.memory_space<vmem>>
    %dma_start3A_48 = arith.constant 0 : i32
    %dma_start3A_49 = tpu.memref_slice %arg7[%dma_start3A_45, %dma_start3A_48] : memref<4x128xi32, #tpu.memory_space<vmem>> -> memref<1x128xi32, #tpu.memory_space<vmem>>
    %dma_start3A_50 = tpu.memref_squeeze %dma_start3A_49 : memref<1x128xi32, #tpu.memory_space<vmem>> -> memref<128xi32, #tpu.memory_space<vmem>>
    %dma_start3A_51 = arith.constant 0 : i32
    %dma_start3A_52 = tpu.memref_slice %arg5[%dma_start3A_51] : memref<1000000xf32, #tpu.memory_space<hbm>> -> memref<1000000xf32, #tpu.memory_space<hbm>>
    tpu.enqueue_indirect_dma source(%dma_start3A_52 : memref<1000000xf32, #tpu.memory_space<hbm>>) target(%dma_start3A_47 : memref<128xf32, #tpu.memory_space<vmem>>) offsets(%dma_start3A_50 : memref<128xi32, #tpu.memory_space<vmem>>) semaphore(%arg15 : memref<!tpu.dma_semaphore, #tpu.memory_space<semaphore_mem>>)
    tpu.enqueue_dma source(%arg4 : memref<16xi32, #tpu.memory_space<hbm>>) target(%arg11 : memref<16xi32, #tpu.memory_space<vmem>>) target_semaphore(%arg16 : memref<!tpu.dma_semaphore, #tpu.memory_space<semaphore_mem>>)
    %dma_wait3A_53 = tpu.memref_slice %arg3[%mul3A_11] : memref<49152xf32, #tpu.memory_space<hbm>> -> memref<1536xf32, #tpu.memory_space<hbm>>
    %dma_wait3A_54 = tpu.memref_slice %arg3[%mul3A_11] : memref<49152xf32, #tpu.memory_space<hbm>> -> memref<1536xf32, #tpu.memory_space<hbm>>
    tpu.wait_dma2 semaphore(%arg16 : memref<!tpu.dma_semaphore, #tpu.memory_space<semaphore_mem>>) src(%dma_wait3A_54 : memref<1536xf32, #tpu.memory_space<hbm>>) dst(%arg8 : memref<1536xf32, #tpu.memory_space<vmem>>)
    tpu.wait_dma2 semaphore(%arg16 : memref<!tpu.dma_semaphore, #tpu.memory_space<semaphore_mem>>) src(%arg4 : memref<16xi32, #tpu.memory_space<hbm>>) dst(%arg11 : memref<16xi32, #tpu.memory_space<vmem>>)
    %get3A = arith.constant 0 : index
    %get3A_55 = tpu.vector_load %arg11[%get3A] {strides = array<i32>} : memref<16xi32, #tpu.memory_space<vmem>>, vector<16xi32>,
    %get3A_56 = vector.shape_cast %get3A_55 : vector<16xi32> to vector<16xi32>
    %ne3A = arith.constant 0 : i32
    %ne3A_57 = vector.broadcast %ne3A : i32 to vector<16xi32>
    %ne3A_58 = arith.cmpi ne, %get3A_56, %ne3A_57 : vector<16xi32>
    %dma_wait3A_59 = arith.constant 0 : i32
    %dma_wait3A_60 = arith.constant 0 : i32
    %dma_wait3A_61 = tpu.memref_slice %arg9[%dma_wait3A_60] : memref<512xf32, #tpu.memory_space<vmem>> -> memref<128xf32, #tpu.memory_space<vmem>>
    %dma_wait3A_62 = arith.constant 0 : i32
    %dma_wait3A_63 = tpu.memref_slice %arg7[%dma_wait3A_59, %dma_wait3A_62] : memref<4x128xi32, #tpu.memory_space<vmem>> -> memref<1x128xi32, #tpu.memory_space<vmem>>
    %dma_wait3A_64 = tpu.memref_squeeze %dma_wait3A_63 : memref<1x128xi32, #tpu.memory_space<vmem>> -> memref<128xi32, #tpu.memory_space<vmem>>
    %dma_wait3A_65 = arith.constant 0 : i32
    %dma_wait3A_66 = tpu.memref_slice %arg5[%dma_wait3A_65] : memref<1000000xf32, #tpu.memory_space<hbm>> -> memref<1000000xf32, #tpu.memory_space<hbm>>
    tpu.wait_indirect_dma semaphore(%arg12 : memref<!tpu.dma_semaphore, #tpu.memory_space<semaphore_mem>>) src(%dma_wait3A_66 : memref<1000000xf32, #tpu.memory_space<hbm>>) dst(%dma_wait3A_61 : memref<128xf32, #tpu.memory_space<vmem>>)
    %parallel_loop3A = arith.constant 0 : i32
    %parallel_loop3A_67 = arith.constant 128 : i32
    %parallel_loop3A_68 = arith.constant 16 : i32
    scf.for %parallel_loop3A_214 = %parallel_loop3A to %parallel_loop3A_67 step %parallel_loop3A_68  : i32 {
      %parallel_loop3A_215 = arith.index_cast %parallel_loop3A_214 : i32 to index
      %parallel_loop3A_216 = tpu.vector_load %arg9[%parallel_loop3A_215] {strides = array<i32>} : memref<512xf32, #tpu.memory_space<vmem>>, vector<16xf32>,
      %parallel_loop3A_217 = vector.shape_cast %parallel_loop3A_216 : vector<16xf32> to vector<16xf32>
      %parallel_loop3A_218 = arith.constant 0.000000e+00 : f32
      %parallel_loop3A_219 = vector.broadcast %parallel_loop3A_218 : f32 to vector<16xf32>
      %parallel_loop3A_220 = arith.subf %parallel_loop3A_219, %parallel_loop3A_217 : vector<16xf32>
      %parallel_loop3A_221 = math.exp %parallel_loop3A_220 : vector<16xf32>
      %parallel_loop3A_222 = arith.constant 1.000000e+00 : f32
      %parallel_loop3A_223 = vector.broadcast %parallel_loop3A_222 : f32 to vector<16xf32>
      %parallel_loop3A_224 = arith.addf %parallel_loop3A_223, %parallel_loop3A_221 : vector<16xf32>
      %parallel_loop3A_225 = arith.constant 1.000000e+00 : f32
      %parallel_loop3A_226 = vector.broadcast %parallel_loop3A_225 : f32 to vector<16xf32>
      %parallel_loop3A_227 = arith.divf %parallel_loop3A_226, %parallel_loop3A_224 : vector<16xf32>
      %parallel_loop3A_228 = arith.constant 5.000000e-01 : f32
      %parallel_loop3A_229 = vector.broadcast %parallel_loop3A_228 : f32 to vector<16xf32>
      %parallel_loop3A_230 = arith.subf %parallel_loop3A_227, %parallel_loop3A_229 : vector<16xf32>
      %parallel_loop3A_231 = arith.constant 8.000000e+00 : f32
      %parallel_loop3A_232 = vector.broadcast %parallel_loop3A_231 : f32 to vector<16xf32>
      %parallel_loop3A_233 = arith.mulf %parallel_loop3A_232, %parallel_loop3A_230 : vector<16xf32>
      %parallel_loop3A_234 = arith.index_cast %parallel_loop3A_214 : i32 to index
      %parallel_loop3A_235 = tpu.vector_load %arg8[%parallel_loop3A_234] {strides = array<i32>} : memref<1536xf32, #tpu.memory_space<vmem>>, vector<16xf32>,
      %parallel_loop3A_236 = vector.shape_cast %parallel_loop3A_235 : vector<16xf32> to vector<16xf32>
      %parallel_loop3A_237 = arith.constant 0.000000e+00 : f32
      %parallel_loop3A_238 = vector.broadcast %parallel_loop3A_237 : f32 to vector<16xf32>
      %parallel_loop3A_239 = arith.subf %parallel_loop3A_238, %parallel_loop3A_236 : vector<16xf32>
      %parallel_loop3A_240 = math.exp %parallel_loop3A_239 : vector<16xf32>
      %parallel_loop3A_241 = arith.constant 1.000000e+00 : f32
      %parallel_loop3A_242 = vector.broadcast %parallel_loop3A_241 : f32 to vector<16xf32>
      %parallel_loop3A_243 = arith.addf %parallel_loop3A_242, %parallel_loop3A_240 : vector<16xf32>
      %parallel_loop3A_244 = arith.constant 4.000000e+00 : f32
      %parallel_loop3A_245 = vector.broadcast %parallel_loop3A_244 : f32 to vector<16xf32>
      %parallel_loop3A_246 = arith.divf %parallel_loop3A_245, %parallel_loop3A_243 : vector<16xf32>
      %parallel_loop3A_247 = arith.constant 512 : i32
      %parallel_loop3A_248 = arith.addi %parallel_loop3A_247, %parallel_loop3A_214 : i32
      %parallel_loop3A_249 = arith.index_cast %parallel_loop3A_248 : i32 to index
      %parallel_loop3A_250 = tpu.vector_load %arg8[%parallel_loop3A_249] {strides = array<i32>} : memref<1536xf32, #tpu.memory_space<vmem>>, vector<16xf32>,
      %parallel_loop3A_251 = vector.shape_cast %parallel_loop3A_250 : vector<16xf32> to vector<16xf32>
      %parallel_loop3A_252 = arith.constant 0.000000e+00 : f32
      %parallel_loop3A_253 = vector.broadcast %parallel_loop3A_252 : f32 to vector<16xf32>
      %parallel_loop3A_254 = arith.subf %parallel_loop3A_253, %parallel_loop3A_251 : vector<16xf32>
      %parallel_loop3A_255 = math.exp %parallel_loop3A_254 : vector<16xf32>
      %parallel_loop3A_256 = arith.constant 1.000000e+00 : f32
      %parallel_loop3A_257 = vector.broadcast %parallel_loop3A_256 : f32 to vector<16xf32>
      %parallel_loop3A_258 = arith.addf %parallel_loop3A_257, %parallel_loop3A_255 : vector<16xf32>
      %parallel_loop3A_259 = arith.constant 8.000000e+00 : f32
      %parallel_loop3A_260 = vector.broadcast %parallel_loop3A_259 : f32 to vector<16xf32>
      %parallel_loop3A_261 = arith.divf %parallel_loop3A_260, %parallel_loop3A_258 : vector<16xf32>
      %parallel_loop3A_262 = arith.constant 4.000000e+00 : f32
      %parallel_loop3A_263 = vector.broadcast %parallel_loop3A_262 : f32 to vector<16xf32>
      %parallel_loop3A_264 = arith.subf %parallel_loop3A_261, %parallel_loop3A_263 : vector<16xf32>
      %parallel_loop3A_265 = arith.constant -1.702000e+00 : f32
      %parallel_loop3A_266 = vector.broadcast %parallel_loop3A_265 : f32 to vector<16xf32>
      %parallel_loop3A_267 = arith.mulf %parallel_loop3A_266, %parallel_loop3A_246 : vector<16xf32>
      %parallel_loop3A_268 = arith.subf %parallel_loop3A_233, %parallel_loop3A_264 : vector<16xf32>
      %parallel_loop3A_269 = arith.mulf %parallel_loop3A_267, %parallel_loop3A_268 : vector<16xf32>
      %parallel_loop3A_270 = math.exp %parallel_loop3A_269 : vector<16xf32>
      %parallel_loop3A_271 = arith.constant 1024 : i32
      %parallel_loop3A_272 = arith.addi %parallel_loop3A_271, %parallel_loop3A_214 : i32
      %parallel_loop3A_273 = arith.index_cast %parallel_loop3A_272 : i32 to index
      %parallel_loop3A_274 = tpu.vector_load %arg8[%parallel_loop3A_273] {strides = array<i32>} : memref<1536xf32, #tpu.memory_space<vmem>>, vector<16xf32>,
      %parallel_loop3A_275 = vector.shape_cast %parallel_loop3A_274 : vector<16xf32> to vector<16xf32>
      %parallel_loop3A_276 = arith.constant 0.000000e+00 : f32
      %parallel_loop3A_277 = vector.broadcast %parallel_loop3A_276 : f32 to vector<16xf32>
      %parallel_loop3A_278 = arith.subf %parallel_loop3A_277, %parallel_loop3A_275 : vector<16xf32>
      %parallel_loop3A_279 = math.exp %parallel_loop3A_278 : vector<16xf32>
      %parallel_loop3A_280 = arith.constant 1.000000e+00 : f32
      %parallel_loop3A_281 = vector.broadcast %parallel_loop3A_280 : f32 to vector<16xf32>
      %parallel_loop3A_282 = arith.addf %parallel_loop3A_281, %parallel_loop3A_279 : vector<16xf32>
      %parallel_loop3A_283 = arith.addf %parallel_loop3A_270, %parallel_loop3A_282 : vector<16xf32>
      %parallel_loop3A_284 = arith.constant 1.000000e+00 : f32
      %parallel_loop3A_285 = vector.broadcast %parallel_loop3A_284 : f32 to vector<16xf32>
      %parallel_loop3A_286 = arith.addf %parallel_loop3A_285, %parallel_loop3A_270 : vector<16xf32>
      %parallel_loop3A_287 = arith.mulf %parallel_loop3A_282, %parallel_loop3A_286 : vector<16xf32>
      %parallel_loop3A_288 = arith.divf %parallel_loop3A_283, %parallel_loop3A_287 : vector<16xf32>
      %parallel_loop3A_289 = arith.select %ne3A_58, %parallel_loop3A_227, %parallel_loop3A_288 : vector<16xi1>, vector<16xf32>
      %parallel_loop3A_290 = arith.index_cast %parallel_loop3A_214 : i32 to index
      %parallel_loop3A_291 = tpu.vector_load %arg10[%parallel_loop3A_290] {strides = array<i32>} : memref<512xf32, #tpu.memory_space<vmem>>, vector<16xf32>,
      %parallel_loop3A_292 = vector.shape_cast %parallel_loop3A_291 : vector<16xf32> to vector<16xf32>
      %parallel_loop3A_293 = vector.shape_cast %parallel_loop3A_289 : vector<16xf32> to vector<16xf32>
      tpu.vector_store %arg10[%parallel_loop3A_290], %parallel_loop3A_293 {strides = array<i32>} : memref<512xf32, #tpu.memory_space<vmem>>, vector<16xf32>,
    } {sc.loop_unroll_factor = 2 : i64, sc.parallel_access}
    %dma_start3A_69 = arith.constant 0 : i32
    %dma_start3A_70 = tpu.memref_slice %arg10[%dma_start3A_69] : memref<512xf32, #tpu.memory_space<vmem>> -> memref<128xf32, #tpu.memory_space<vmem>>
    %dma_start3A_71 = arith.constant 0 : i32
    %dma_start3A_72 = tpu.memref_slice %arg6[%add3A, %dma_start3A_71] : memref<32x512xf32, #tpu.memory_space<hbm>> -> memref<1x512xf32, #tpu.memory_space<hbm>>
    %dma_start3A_73 = tpu.memref_squeeze %dma_start3A_72 : memref<1x512xf32, #tpu.memory_space<hbm>> -> memref<512xf32, #tpu.memory_space<hbm>>
    %dma_start3A_74 = arith.constant 0 : i32
    %dma_start3A_75 = tpu.memref_slice %dma_start3A_73[%dma_start3A_74] : memref<512xf32, #tpu.memory_space<hbm>> -> memref<128xf32, #tpu.memory_space<hbm>>
    %dma_start3A_76 = arith.constant 0 : i32
    %dma_start3A_77 = tpu.memref_slice %arg6[%add3A, %dma_start3A_76] : memref<32x512xf32, #tpu.memory_space<hbm>> -> memref<1x512xf32, #tpu.memory_space<hbm>>
    %dma_start3A_78 = tpu.memref_squeeze %dma_start3A_77 : memref<1x512xf32, #tpu.memory_space<hbm>> -> memref<512xf32, #tpu.memory_space<hbm>>
    %dma_start3A_79 = arith.constant 0 : i32
    %dma_start3A_80 = tpu.memref_slice %dma_start3A_78[%dma_start3A_79] : memref<512xf32, #tpu.memory_space<hbm>> -> memref<128xf32, #tpu.memory_space<hbm>>
    %dma_start3A_81 = arith.constant 0 : i32
    %dma_start3A_82 = tpu.memref_slice %arg10[%dma_start3A_81] : memref<512xf32, #tpu.memory_space<vmem>> -> memref<128xf32, #tpu.memory_space<vmem>>
    tpu.enqueue_dma source(%dma_start3A_82 : memref<128xf32, #tpu.memory_space<vmem>>) target(%dma_start3A_80 : memref<128xf32, #tpu.memory_space<hbm>>) target_semaphore(%arg17 : memref<!tpu.dma_semaphore, #tpu.memory_space<semaphore_mem>>)
    %dma_wait3A_83 = arith.constant 1 : i32
    %dma_wait3A_84 = arith.constant 128 : i32
    %dma_wait3A_85 = tpu.memref_slice %arg9[%dma_wait3A_84] : memref<512xf32, #tpu.memory_space<vmem>> -> memref<128xf32, #tpu.memory_space<vmem>>
    %dma_wait3A_86 = arith.constant 0 : i32
    %dma_wait3A_87 = tpu.memref_slice %arg7[%dma_wait3A_83, %dma_wait3A_86] : memref<4x128xi32, #tpu.memory_space<vmem>> -> memref<1x128xi32, #tpu.memory_space<vmem>>
    %dma_wait3A_88 = tpu.memref_squeeze %dma_wait3A_87 : memref<1x128xi32, #tpu.memory_space<vmem>> -> memref<128xi32, #tpu.memory_space<vmem>>
    %dma_wait3A_89 = arith.constant 0 : i32
    %dma_wait3A_90 = tpu.memref_slice %arg5[%dma_wait3A_89] : memref<1000000xf32, #tpu.memory_space<hbm>> -> memref<1000000xf32, #tpu.memory_space<hbm>>
    tpu.wait_indirect_dma semaphore(%arg13 : memref<!tpu.dma_semaphore, #tpu.memory_space<semaphore_mem>>) src(%dma_wait3A_90 : memref<1000000xf32, #tpu.memory_space<hbm>>) dst(%dma_wait3A_85 : memref<128xf32, #tpu.memory_space<vmem>>)
    %parallel_loop3A_91 = arith.constant 128 : i32
    %parallel_loop3A_92 = arith.constant 256 : i32
    %parallel_loop3A_93 = arith.constant 16 : i32
    scf.for %parallel_loop3A_214 = %parallel_loop3A_91 to %parallel_loop3A_92 step %parallel_loop3A_93  : i32 {
      %parallel_loop3A_215 = arith.index_cast %parallel_loop3A_214 : i32 to index
      %parallel_loop3A_216 = tpu.vector_load %arg9[%parallel_loop3A_215] {strides = array<i32>} : memref<512xf32, #tpu.memory_space<vmem>>, vector<16xf32>,
      %parallel_loop3A_217 = vector.shape_cast %parallel_loop3A_216 : vector<16xf32> to vector<16xf32>
      %parallel_loop3A_218 = arith.constant 0.000000e+00 : f32
      %parallel_loop3A_219 = vector.broadcast %parallel_loop3A_218 : f32 to vector<16xf32>
      %parallel_loop3A_220 = arith.subf %parallel_loop3A_219, %parallel_loop3A_217 : vector<16xf32>
      %parallel_loop3A_221 = math.exp %parallel_loop3A_220 : vector<16xf32>
      %parallel_loop3A_222 = arith.constant 1.000000e+00 : f32
      %parallel_loop3A_223 = vector.broadcast %parallel_loop3A_222 : f32 to vector<16xf32>
      %parallel_loop3A_224 = arith.addf %parallel_loop3A_223, %parallel_loop3A_221 : vector<16xf32>
      %parallel_loop3A_225 = arith.constant 1.000000e+00 : f32
      %parallel_loop3A_226 = vector.broadcast %parallel_loop3A_225 : f32 to vector<16xf32>
      %parallel_loop3A_227 = arith.divf %parallel_loop3A_226, %parallel_loop3A_224 : vector<16xf32>
      %parallel_loop3A_228 = arith.constant 5.000000e-01 : f32
      %parallel_loop3A_229 = vector.broadcast %parallel_loop3A_228 : f32 to vector<16xf32>
      %parallel_loop3A_230 = arith.subf %parallel_loop3A_227, %parallel_loop3A_229 : vector<16xf32>
      %parallel_loop3A_231 = arith.constant 8.000000e+00 : f32
      %parallel_loop3A_232 = vector.broadcast %parallel_loop3A_231 : f32 to vector<16xf32>
      %parallel_loop3A_233 = arith.mulf %parallel_loop3A_232, %parallel_loop3A_230 : vector<16xf32>
      %parallel_loop3A_234 = arith.index_cast %parallel_loop3A_214 : i32 to index
      %parallel_loop3A_235 = tpu.vector_load %arg8[%parallel_loop3A_234] {strides = array<i32>} : memref<1536xf32, #tpu.memory_space<vmem>>, vector<16xf32>,
      %parallel_loop3A_236 = vector.shape_cast %parallel_loop3A_235 : vector<16xf32> to vector<16xf32>
      %parallel_loop3A_237 = arith.constant 0.000000e+00 : f32
      %parallel_loop3A_238 = vector.broadcast %parallel_loop3A_237 : f32 to vector<16xf32>
      %parallel_loop3A_239 = arith.subf %parallel_loop3A_238, %parallel_loop3A_236 : vector<16xf32>
      %parallel_loop3A_240 = math.exp %parallel_loop3A_239 : vector<16xf32>
      %parallel_loop3A_241 = arith.constant 1.000000e+00 : f32
      %parallel_loop3A_242 = vector.broadcast %parallel_loop3A_241 : f32 to vector<16xf32>
      %parallel_loop3A_243 = arith.addf %parallel_loop3A_242, %parallel_loop3A_240 : vector<16xf32>
      %parallel_loop3A_244 = arith.constant 4.000000e+00 : f32
      %parallel_loop3A_245 = vector.broadcast %parallel_loop3A_244 : f32 to vector<16xf32>
      %parallel_loop3A_246 = arith.divf %parallel_loop3A_245, %parallel_loop3A_243 : vector<16xf32>
      %parallel_loop3A_247 = arith.constant 512 : i32
      %parallel_loop3A_248 = arith.addi %parallel_loop3A_247, %parallel_loop3A_214 : i32
      %parallel_loop3A_249 = arith.index_cast %parallel_loop3A_248 : i32 to index
      %parallel_loop3A_250 = tpu.vector_load %arg8[%parallel_loop3A_249] {strides = array<i32>} : memref<1536xf32, #tpu.memory_space<vmem>>, vector<16xf32>,
      %parallel_loop3A_251 = vector.shape_cast %parallel_loop3A_250 : vector<16xf32> to vector<16xf32>
      %parallel_loop3A_252 = arith.constant 0.000000e+00 : f32
      %parallel_loop3A_253 = vector.broadcast %parallel_loop3A_252 : f32 to vector<16xf32>
      %parallel_loop3A_254 = arith.subf %parallel_loop3A_253, %parallel_loop3A_251 : vector<16xf32>
      %parallel_loop3A_255 = math.exp %parallel_loop3A_254 : vector<16xf32>
      %parallel_loop3A_256 = arith.constant 1.000000e+00 : f32
      %parallel_loop3A_257 = vector.broadcast %parallel_loop3A_256 : f32 to vector<16xf32>
      %parallel_loop3A_258 = arith.addf %parallel_loop3A_257, %parallel_loop3A_255 : vector<16xf32>
      %parallel_loop3A_259 = arith.constant 8.000000e+00 : f32
      %parallel_loop3A_260 = vector.broadcast %parallel_loop3A_259 : f32 to vector<16xf32>
      %parallel_loop3A_261 = arith.divf %parallel_loop3A_260, %parallel_loop3A_258 : vector<16xf32>
      %parallel_loop3A_262 = arith.constant 4.000000e+00 : f32
      %parallel_loop3A_263 = vector.broadcast %parallel_loop3A_262 : f32 to vector<16xf32>
      %parallel_loop3A_264 = arith.subf %parallel_loop3A_261, %parallel_loop3A_263 : vector<16xf32>
      %parallel_loop3A_265 = arith.constant -1.702000e+00 : f32
      %parallel_loop3A_266 = vector.broadcast %parallel_loop3A_265 : f32 to vector<16xf32>
      %parallel_loop3A_267 = arith.mulf %parallel_loop3A_266, %parallel_loop3A_246 : vector<16xf32>
      %parallel_loop3A_268 = arith.subf %parallel_loop3A_233, %parallel_loop3A_264 : vector<16xf32>
      %parallel_loop3A_269 = arith.mulf %parallel_loop3A_267, %parallel_loop3A_268 : vector<16xf32>
      %parallel_loop3A_270 = math.exp %parallel_loop3A_269 : vector<16xf32>
      %parallel_loop3A_271 = arith.constant 1024 : i32
      %parallel_loop3A_272 = arith.addi %parallel_loop3A_271, %parallel_loop3A_214 : i32
      %parallel_loop3A_273 = arith.index_cast %parallel_loop3A_272 : i32 to index
      %parallel_loop3A_274 = tpu.vector_load %arg8[%parallel_loop3A_273] {strides = array<i32>} : memref<1536xf32, #tpu.memory_space<vmem>>, vector<16xf32>,
      %parallel_loop3A_275 = vector.shape_cast %parallel_loop3A_274 : vector<16xf32> to vector<16xf32>
      %parallel_loop3A_276 = arith.constant 0.000000e+00 : f32
      %parallel_loop3A_277 = vector.broadcast %parallel_loop3A_276 : f32 to vector<16xf32>
      %parallel_loop3A_278 = arith.subf %parallel_loop3A_277, %parallel_loop3A_275 : vector<16xf32>
      %parallel_loop3A_279 = math.exp %parallel_loop3A_278 : vector<16xf32>
      %parallel_loop3A_280 = arith.constant 1.000000e+00 : f32
      %parallel_loop3A_281 = vector.broadcast %parallel_loop3A_280 : f32 to vector<16xf32>
      %parallel_loop3A_282 = arith.addf %parallel_loop3A_281, %parallel_loop3A_279 : vector<16xf32>
      %parallel_loop3A_283 = arith.addf %parallel_loop3A_270, %parallel_loop3A_282 : vector<16xf32>
      %parallel_loop3A_284 = arith.constant 1.000000e+00 : f32
      %parallel_loop3A_285 = vector.broadcast %parallel_loop3A_284 : f32 to vector<16xf32>
      %parallel_loop3A_286 = arith.addf %parallel_loop3A_285, %parallel_loop3A_270 : vector<16xf32>
      %parallel_loop3A_287 = arith.mulf %parallel_loop3A_282, %parallel_loop3A_286 : vector<16xf32>
      %parallel_loop3A_288 = arith.divf %parallel_loop3A_283, %parallel_loop3A_287 : vector<16xf32>
      %parallel_loop3A_289 = arith.select %ne3A_58, %parallel_loop3A_227, %parallel_loop3A_288 : vector<16xi1>, vector<16xf32>
      %parallel_loop3A_290 = arith.index_cast %parallel_loop3A_214 : i32 to index
      %parallel_loop3A_291 = tpu.vector_load %arg10[%parallel_loop3A_290] {strides = array<i32>} : memref<512xf32, #tpu.memory_space<vmem>>, vector<16xf32>,
      %parallel_loop3A_292 = vector.shape_cast %parallel_loop3A_291 : vector<16xf32> to vector<16xf32>
      %parallel_loop3A_293 = vector.shape_cast %parallel_loop3A_289 : vector<16xf32> to vector<16xf32>
      tpu.vector_store %arg10[%parallel_loop3A_290], %parallel_loop3A_293 {strides = array<i32>} : memref<512xf32, #tpu.memory_space<vmem>>, vector<16xf32>,
    } {sc.loop_unroll_factor = 2 : i64, sc.parallel_access}
    %dma_start3A_94 = arith.constant 128 : i32
    %dma_start3A_95 = tpu.memref_slice %arg10[%dma_start3A_94] : memref<512xf32, #tpu.memory_space<vmem>> -> memref<128xf32, #tpu.memory_space<vmem>>
    %dma_start3A_96 = arith.constant 0 : i32
    %dma_start3A_97 = tpu.memref_slice %arg6[%add3A, %dma_start3A_96] : memref<32x512xf32, #tpu.memory_space<hbm>> -> memref<1x512xf32, #tpu.memory_space<hbm>>
    %dma_start3A_98 = tpu.memref_squeeze %dma_start3A_97 : memref<1x512xf32, #tpu.memory_space<hbm>> -> memref<512xf32, #tpu.memory_space<hbm>>
    %dma_start3A_99 = arith.constant 128 : i32
    %dma_start3A_100 = tpu.memref_slice %dma_start3A_98[%dma_start3A_99] : memref<512xf32, #tpu.memory_space<hbm>> -> memref<128xf32, #tpu.memory_space<hbm>>
    %dma_start3A_101 = arith.constant 0 : i32
    %dma_start3A_102 = tpu.memref_slice %arg6[%add3A, %dma_start3A_101] : memref<32x512xf32, #tpu.memory_space<hbm>> -> memref<1x512xf32, #tpu.memory_space<hbm>>
    %dma_start3A_103 = tpu.memref_squeeze %dma_start3A_102 : memref<1x512xf32, #tpu.memory_space<hbm>> -> memref<512xf32, #tpu.memory_space<hbm>>
    %dma_start3A_104 = arith.constant 128 : i32
    %dma_start3A_105 = tpu.memref_slice %dma_start3A_103[%dma_start3A_104] : memref<512xf32, #tpu.memory_space<hbm>> -> memref<128xf32, #tpu.memory_space<hbm>>
    %dma_start3A_106 = arith.constant 128 : i32
    %dma_start3A_107 = tpu.memref_slice %arg10[%dma_start3A_106] : memref<512xf32, #tpu.memory_space<vmem>> -> memref<128xf32, #tpu.memory_space<vmem>>
    tpu.enqueue_dma source(%dma_start3A_107 : memref<128xf32, #tpu.memory_space<vmem>>) target(%dma_start3A_105 : memref<128xf32, #tpu.memory_space<hbm>>) target_semaphore(%arg17 : memref<!tpu.dma_semaphore, #tpu.memory_space<semaphore_mem>>)
    %dma_wait3A_108 = arith.constant 2 : i32
    %dma_wait3A_109 = arith.constant 256 : i32
    %dma_wait3A_110 = tpu.memref_slice %arg9[%dma_wait3A_109] : memref<512xf32, #tpu.memory_space<vmem>> -> memref<128xf32, #tpu.memory_space<vmem>>
    %dma_wait3A_111 = arith.constant 0 : i32
    %dma_wait3A_112 = tpu.memref_slice %arg7[%dma_wait3A_108, %dma_wait3A_111] : memref<4x128xi32, #tpu.memory_space<vmem>> -> memref<1x128xi32, #tpu.memory_space<vmem>>
    %dma_wait3A_113 = tpu.memref_squeeze %dma_wait3A_112 : memref<1x128xi32, #tpu.memory_space<vmem>> -> memref<128xi32, #tpu.memory_space<vmem>>
    %dma_wait3A_114 = arith.constant 0 : i32
    %dma_wait3A_115 = tpu.memref_slice %arg5[%dma_wait3A_114] : memref<1000000xf32, #tpu.memory_space<hbm>> -> memref<1000000xf32, #tpu.memory_space<hbm>>
    tpu.wait_indirect_dma semaphore(%arg14 : memref<!tpu.dma_semaphore, #tpu.memory_space<semaphore_mem>>) src(%dma_wait3A_115 : memref<1000000xf32, #tpu.memory_space<hbm>>) dst(%dma_wait3A_110 : memref<128xf32, #tpu.memory_space<vmem>>)
    %parallel_loop3A_116 = arith.constant 256 : i32
    %parallel_loop3A_117 = arith.constant 384 : i32
    %parallel_loop3A_118 = arith.constant 16 : i32
    scf.for %parallel_loop3A_214 = %parallel_loop3A_116 to %parallel_loop3A_117 step %parallel_loop3A_118  : i32 {
      %parallel_loop3A_215 = arith.index_cast %parallel_loop3A_214 : i32 to index
      %parallel_loop3A_216 = tpu.vector_load %arg9[%parallel_loop3A_215] {strides = array<i32>} : memref<512xf32, #tpu.memory_space<vmem>>, vector<16xf32>,
      %parallel_loop3A_217 = vector.shape_cast %parallel_loop3A_216 : vector<16xf32> to vector<16xf32>
      %parallel_loop3A_218 = arith.constant 0.000000e+00 : f32
      %parallel_loop3A_219 = vector.broadcast %parallel_loop3A_218 : f32 to vector<16xf32>
      %parallel_loop3A_220 = arith.subf %parallel_loop3A_219, %parallel_loop3A_217 : vector<16xf32>
      %parallel_loop3A_221 = math.exp %parallel_loop3A_220 : vector<16xf32>
      %parallel_loop3A_222 = arith.constant 1.000000e+00 : f32
      %parallel_loop3A_223 = vector.broadcast %parallel_loop3A_222 : f32 to vector<16xf32>
      %parallel_loop3A_224 = arith.addf %parallel_loop3A_223, %parallel_loop3A_221 : vector<16xf32>
      %parallel_loop3A_225 = arith.constant 1.000000e+00 : f32
      %parallel_loop3A_226 = vector.broadcast %parallel_loop3A_225 : f32 to vector<16xf32>
      %parallel_loop3A_227 = arith.divf %parallel_loop3A_226, %parallel_loop3A_224 : vector<16xf32>
      %parallel_loop3A_228 = arith.constant 5.000000e-01 : f32
      %parallel_loop3A_229 = vector.broadcast %parallel_loop3A_228 : f32 to vector<16xf32>
      %parallel_loop3A_230 = arith.subf %parallel_loop3A_227, %parallel_loop3A_229 : vector<16xf32>
      %parallel_loop3A_231 = arith.constant 8.000000e+00 : f32
      %parallel_loop3A_232 = vector.broadcast %parallel_loop3A_231 : f32 to vector<16xf32>
      %parallel_loop3A_233 = arith.mulf %parallel_loop3A_232, %parallel_loop3A_230 : vector<16xf32>
      %parallel_loop3A_234 = arith.index_cast %parallel_loop3A_214 : i32 to index
      %parallel_loop3A_235 = tpu.vector_load %arg8[%parallel_loop3A_234] {strides = array<i32>} : memref<1536xf32, #tpu.memory_space<vmem>>, vector<16xf32>,
      %parallel_loop3A_236 = vector.shape_cast %parallel_loop3A_235 : vector<16xf32> to vector<16xf32>
      %parallel_loop3A_237 = arith.constant 0.000000e+00 : f32
      %parallel_loop3A_238 = vector.broadcast %parallel_loop3A_237 : f32 to vector<16xf32>
      %parallel_loop3A_239 = arith.subf %parallel_loop3A_238, %parallel_loop3A_236 : vector<16xf32>
      %parallel_loop3A_240 = math.exp %parallel_loop3A_239 : vector<16xf32>
      %parallel_loop3A_241 = arith.constant 1.000000e+00 : f32
      %parallel_loop3A_242 = vector.broadcast %parallel_loop3A_241 : f32 to vector<16xf32>
      %parallel_loop3A_243 = arith.addf %parallel_loop3A_242, %parallel_loop3A_240 : vector<16xf32>
      %parallel_loop3A_244 = arith.constant 4.000000e+00 : f32
      %parallel_loop3A_245 = vector.broadcast %parallel_loop3A_244 : f32 to vector<16xf32>
      %parallel_loop3A_246 = arith.divf %parallel_loop3A_245, %parallel_loop3A_243 : vector<16xf32>
      %parallel_loop3A_247 = arith.constant 512 : i32
      %parallel_loop3A_248 = arith.addi %parallel_loop3A_247, %parallel_loop3A_214 : i32
      %parallel_loop3A_249 = arith.index_cast %parallel_loop3A_248 : i32 to index
      %parallel_loop3A_250 = tpu.vector_load %arg8[%parallel_loop3A_249] {strides = array<i32>} : memref<1536xf32, #tpu.memory_space<vmem>>, vector<16xf32>,
      %parallel_loop3A_251 = vector.shape_cast %parallel_loop3A_250 : vector<16xf32> to vector<16xf32>
      %parallel_loop3A_252 = arith.constant 0.000000e+00 : f32
      %parallel_loop3A_253 = vector.broadcast %parallel_loop3A_252 : f32 to vector<16xf32>
      %parallel_loop3A_254 = arith.subf %parallel_loop3A_253, %parallel_loop3A_251 : vector<16xf32>
      %parallel_loop3A_255 = math.exp %parallel_loop3A_254 : vector<16xf32>
      %parallel_loop3A_256 = arith.constant 1.000000e+00 : f32
      %parallel_loop3A_257 = vector.broadcast %parallel_loop3A_256 : f32 to vector<16xf32>
      %parallel_loop3A_258 = arith.addf %parallel_loop3A_257, %parallel_loop3A_255 : vector<16xf32>
      %parallel_loop3A_259 = arith.constant 8.000000e+00 : f32
      %parallel_loop3A_260 = vector.broadcast %parallel_loop3A_259 : f32 to vector<16xf32>
      %parallel_loop3A_261 = arith.divf %parallel_loop3A_260, %parallel_loop3A_258 : vector<16xf32>
      %parallel_loop3A_262 = arith.constant 4.000000e+00 : f32
      %parallel_loop3A_263 = vector.broadcast %parallel_loop3A_262 : f32 to vector<16xf32>
      %parallel_loop3A_264 = arith.subf %parallel_loop3A_261, %parallel_loop3A_263 : vector<16xf32>
      %parallel_loop3A_265 = arith.constant -1.702000e+00 : f32
      %parallel_loop3A_266 = vector.broadcast %parallel_loop3A_265 : f32 to vector<16xf32>
      %parallel_loop3A_267 = arith.mulf %parallel_loop3A_266, %parallel_loop3A_246 : vector<16xf32>
      %parallel_loop3A_268 = arith.subf %parallel_loop3A_233, %parallel_loop3A_264 : vector<16xf32>
      %parallel_loop3A_269 = arith.mulf %parallel_loop3A_267, %parallel_loop3A_268 : vector<16xf32>
      %parallel_loop3A_270 = math.exp %parallel_loop3A_269 : vector<16xf32>
      %parallel_loop3A_271 = arith.constant 1024 : i32
      %parallel_loop3A_272 = arith.addi %parallel_loop3A_271, %parallel_loop3A_214 : i32
      %parallel_loop3A_273 = arith.index_cast %parallel_loop3A_272 : i32 to index
      %parallel_loop3A_274 = tpu.vector_load %arg8[%parallel_loop3A_273] {strides = array<i32>} : memref<1536xf32, #tpu.memory_space<vmem>>, vector<16xf32>,
      %parallel_loop3A_275 = vector.shape_cast %parallel_loop3A_274 : vector<16xf32> to vector<16xf32>
      %parallel_loop3A_276 = arith.constant 0.000000e+00 : f32
      %parallel_loop3A_277 = vector.broadcast %parallel_loop3A_276 : f32 to vector<16xf32>
      %parallel_loop3A_278 = arith.subf %parallel_loop3A_277, %parallel_loop3A_275 : vector<16xf32>
      %parallel_loop3A_279 = math.exp %parallel_loop3A_278 : vector<16xf32>
      %parallel_loop3A_280 = arith.constant 1.000000e+00 : f32
      %parallel_loop3A_281 = vector.broadcast %parallel_loop3A_280 : f32 to vector<16xf32>
      %parallel_loop3A_282 = arith.addf %parallel_loop3A_281, %parallel_loop3A_279 : vector<16xf32>
      %parallel_loop3A_283 = arith.addf %parallel_loop3A_270, %parallel_loop3A_282 : vector<16xf32>
      %parallel_loop3A_284 = arith.constant 1.000000e+00 : f32
      %parallel_loop3A_285 = vector.broadcast %parallel_loop3A_284 : f32 to vector<16xf32>
      %parallel_loop3A_286 = arith.addf %parallel_loop3A_285, %parallel_loop3A_270 : vector<16xf32>
      %parallel_loop3A_287 = arith.mulf %parallel_loop3A_282, %parallel_loop3A_286 : vector<16xf32>
      %parallel_loop3A_288 = arith.divf %parallel_loop3A_283, %parallel_loop3A_287 : vector<16xf32>
      %parallel_loop3A_289 = arith.select %ne3A_58, %parallel_loop3A_227, %parallel_loop3A_288 : vector<16xi1>, vector<16xf32>
      %parallel_loop3A_290 = arith.index_cast %parallel_loop3A_214 : i32 to index
      %parallel_loop3A_291 = tpu.vector_load %arg10[%parallel_loop3A_290] {strides = array<i32>} : memref<512xf32, #tpu.memory_space<vmem>>, vector<16xf32>,
      %parallel_loop3A_292 = vector.shape_cast %parallel_loop3A_291 : vector<16xf32> to vector<16xf32>
      %parallel_loop3A_293 = vector.shape_cast %parallel_loop3A_289 : vector<16xf32> to vector<16xf32>
      tpu.vector_store %arg10[%parallel_loop3A_290], %parallel_loop3A_293 {strides = array<i32>} : memref<512xf32, #tpu.memory_space<vmem>>, vector<16xf32>,
    } {sc.loop_unroll_factor = 2 : i64, sc.parallel_access}
    %dma_start3A_119 = arith.constant 256 : i32
    %dma_start3A_120 = tpu.memref_slice %arg10[%dma_start3A_119] : memref<512xf32, #tpu.memory_space<vmem>> -> memref<128xf32, #tpu.memory_space<vmem>>
    %dma_start3A_121 = arith.constant 0 : i32
    %dma_start3A_122 = tpu.memref_slice %arg6[%add3A, %dma_start3A_121] : memref<32x512xf32, #tpu.memory_space<hbm>> -> memref<1x512xf32, #tpu.memory_space<hbm>>
    %dma_start3A_123 = tpu.memref_squeeze %dma_start3A_122 : memref<1x512xf32, #tpu.memory_space<hbm>> -> memref<512xf32, #tpu.memory_space<hbm>>
    %dma_start3A_124 = arith.constant 256 : i32
    %dma_start3A_125 = tpu.memref_slice %dma_start3A_123[%dma_start3A_124] : memref<512xf32, #tpu.memory_space<hbm>> -> memref<128xf32, #tpu.memory_space<hbm>>
    %dma_start3A_126 = arith.constant 0 : i32
    %dma_start3A_127 = tpu.memref_slice %arg6[%add3A, %dma_start3A_126] : memref<32x512xf32, #tpu.memory_space<hbm>> -> memref<1x512xf32, #tpu.memory_space<hbm>>
    %dma_start3A_128 = tpu.memref_squeeze %dma_start3A_127 : memref<1x512xf32, #tpu.memory_space<hbm>> -> memref<512xf32, #tpu.memory_space<hbm>>
    %dma_start3A_129 = arith.constant 256 : i32
    %dma_start3A_130 = tpu.memref_slice %dma_start3A_128[%dma_start3A_129] : memref<512xf32, #tpu.memory_space<hbm>> -> memref<128xf32, #tpu.memory_space<hbm>>
    %dma_start3A_131 = arith.constant 256 : i32
    %dma_start3A_132 = tpu.memref_slice %arg10[%dma_start3A_131] : memref<512xf32, #tpu.memory_space<vmem>> -> memref<128xf32, #tpu.memory_space<vmem>>
    tpu.enqueue_dma source(%dma_start3A_132 : memref<128xf32, #tpu.memory_space<vmem>>) target(%dma_start3A_130 : memref<128xf32, #tpu.memory_space<hbm>>) target_semaphore(%arg17 : memref<!tpu.dma_semaphore, #tpu.memory_space<semaphore_mem>>)
    %dma_wait3A_133 = arith.constant 3 : i32
    %dma_wait3A_134 = arith.constant 384 : i32
    %dma_wait3A_135 = tpu.memref_slice %arg9[%dma_wait3A_134] : memref<512xf32, #tpu.memory_space<vmem>> -> memref<128xf32, #tpu.memory_space<vmem>>
    %dma_wait3A_136 = arith.constant 0 : i32
    %dma_wait3A_137 = tpu.memref_slice %arg7[%dma_wait3A_133, %dma_wait3A_136] : memref<4x128xi32, #tpu.memory_space<vmem>> -> memref<1x128xi32, #tpu.memory_space<vmem>>
    %dma_wait3A_138 = tpu.memref_squeeze %dma_wait3A_137 : memref<1x128xi32, #tpu.memory_space<vmem>> -> memref<128xi32, #tpu.memory_space<vmem>>
    %dma_wait3A_139 = arith.constant 0 : i32
    %dma_wait3A_140 = tpu.memref_slice %arg5[%dma_wait3A_139] : memref<1000000xf32, #tpu.memory_space<hbm>> -> memref<1000000xf32, #tpu.memory_space<hbm>>
    tpu.wait_indirect_dma semaphore(%arg15 : memref<!tpu.dma_semaphore, #tpu.memory_space<semaphore_mem>>) src(%dma_wait3A_140 : memref<1000000xf32, #tpu.memory_space<hbm>>) dst(%dma_wait3A_135 : memref<128xf32, #tpu.memory_space<vmem>>)
    %parallel_loop3A_141 = arith.constant 384 : i32
    %parallel_loop3A_142 = arith.constant 512 : i32
    %parallel_loop3A_143 = arith.constant 16 : i32
    scf.for %parallel_loop3A_214 = %parallel_loop3A_141 to %parallel_loop3A_142 step %parallel_loop3A_143  : i32 {
      %parallel_loop3A_215 = arith.index_cast %parallel_loop3A_214 : i32 to index
      %parallel_loop3A_216 = tpu.vector_load %arg9[%parallel_loop3A_215] {strides = array<i32>} : memref<512xf32, #tpu.memory_space<vmem>>, vector<16xf32>,
      %parallel_loop3A_217 = vector.shape_cast %parallel_loop3A_216 : vector<16xf32> to vector<16xf32>
      %parallel_loop3A_218 = arith.constant 0.000000e+00 : f32
      %parallel_loop3A_219 = vector.broadcast %parallel_loop3A_218 : f32 to vector<16xf32>
      %parallel_loop3A_220 = arith.subf %parallel_loop3A_219, %parallel_loop3A_217 : vector<16xf32>
      %parallel_loop3A_221 = math.exp %parallel_loop3A_220 : vector<16xf32>
      %parallel_loop3A_222 = arith.constant 1.000000e+00 : f32
      %parallel_loop3A_223 = vector.broadcast %parallel_loop3A_222 : f32 to vector<16xf32>
      %parallel_loop3A_224 = arith.addf %parallel_loop3A_223, %parallel_loop3A_221 : vector<16xf32>
      %parallel_loop3A_225 = arith.constant 1.000000e+00 : f32
      %parallel_loop3A_226 = vector.broadcast %parallel_loop3A_225 : f32 to vector<16xf32>
      %parallel_loop3A_227 = arith.divf %parallel_loop3A_226, %parallel_loop3A_224 : vector<16xf32>
      %parallel_loop3A_228 = arith.constant 5.000000e-01 : f32
      %parallel_loop3A_229 = vector.broadcast %parallel_loop3A_228 : f32 to vector<16xf32>
      %parallel_loop3A_230 = arith.subf %parallel_loop3A_227, %parallel_loop3A_229 : vector<16xf32>
      %parallel_loop3A_231 = arith.constant 8.000000e+00 : f32
      %parallel_loop3A_232 = vector.broadcast %parallel_loop3A_231 : f32 to vector<16xf32>
      %parallel_loop3A_233 = arith.mulf %parallel_loop3A_232, %parallel_loop3A_230 : vector<16xf32>
      %parallel_loop3A_234 = arith.index_cast %parallel_loop3A_214 : i32 to index
      %parallel_loop3A_235 = tpu.vector_load %arg8[%parallel_loop3A_234] {strides = array<i32>} : memref<1536xf32, #tpu.memory_space<vmem>>, vector<16xf32>,
      %parallel_loop3A_236 = vector.shape_cast %parallel_loop3A_235 : vector<16xf32> to vector<16xf32>
      %parallel_loop3A_237 = arith.constant 0.000000e+00 : f32
      %parallel_loop3A_238 = vector.broadcast %parallel_loop3A_237 : f32 to vector<16xf32>
      %parallel_loop3A_239 = arith.subf %parallel_loop3A_238, %parallel_loop3A_236 : vector<16xf32>
      %parallel_loop3A_240 = math.exp %parallel_loop3A_239 : vector<16xf32>
      %parallel_loop3A_241 = arith.constant 1.000000e+00 : f32
      %parallel_loop3A_242 = vector.broadcast %parallel_loop3A_241 : f32 to vector<16xf32>
      %parallel_loop3A_243 = arith.addf %parallel_loop3A_242, %parallel_loop3A_240 : vector<16xf32>
      %parallel_loop3A_244 = arith.constant 4.000000e+00 : f32
      %parallel_loop3A_245 = vector.broadcast %parallel_loop3A_244 : f32 to vector<16xf32>
      %parallel_loop3A_246 = arith.divf %parallel_loop3A_245, %parallel_loop3A_243 : vector<16xf32>
      %parallel_loop3A_247 = arith.constant 512 : i32
      %parallel_loop3A_248 = arith.addi %parallel_loop3A_247, %parallel_loop3A_214 : i32
      %parallel_loop3A_249 = arith.index_cast %parallel_loop3A_248 : i32 to index
      %parallel_loop3A_250 = tpu.vector_load %arg8[%parallel_loop3A_249] {strides = array<i32>} : memref<1536xf32, #tpu.memory_space<vmem>>, vector<16xf32>,
      %parallel_loop3A_251 = vector.shape_cast %parallel_loop3A_250 : vector<16xf32> to vector<16xf32>
      %parallel_loop3A_252 = arith.constant 0.000000e+00 : f32
      %parallel_loop3A_253 = vector.broadcast %parallel_loop3A_252 : f32 to vector<16xf32>
      %parallel_loop3A_254 = arith.subf %parallel_loop3A_253, %parallel_loop3A_251 : vector<16xf32>
      %parallel_loop3A_255 = math.exp %parallel_loop3A_254 : vector<16xf32>
      %parallel_loop3A_256 = arith.constant 1.000000e+00 : f32
      %parallel_loop3A_257 = vector.broadcast %parallel_loop3A_256 : f32 to vector<16xf32>
      %parallel_loop3A_258 = arith.addf %parallel_loop3A_257, %parallel_loop3A_255 : vector<16xf32>
      %parallel_loop3A_259 = arith.constant 8.000000e+00 : f32
      %parallel_loop3A_260 = vector.broadcast %parallel_loop3A_259 : f32 to vector<16xf32>
      %parallel_loop3A_261 = arith.divf %parallel_loop3A_260, %parallel_loop3A_258 : vector<16xf32>
      %parallel_loop3A_262 = arith.constant 4.000000e+00 : f32
      %parallel_loop3A_263 = vector.broadcast %parallel_loop3A_262 : f32 to vector<16xf32>
      %parallel_loop3A_264 = arith.subf %parallel_loop3A_261, %parallel_loop3A_263 : vector<16xf32>
      %parallel_loop3A_265 = arith.constant -1.702000e+00 : f32
      %parallel_loop3A_266 = vector.broadcast %parallel_loop3A_265 : f32 to vector<16xf32>
      %parallel_loop3A_267 = arith.mulf %parallel_loop3A_266, %parallel_loop3A_246 : vector<16xf32>
      %parallel_loop3A_268 = arith.subf %parallel_loop3A_233, %parallel_loop3A_264 : vector<16xf32>
      %parallel_loop3A_269 = arith.mulf %parallel_loop3A_267, %parallel_loop3A_268 : vector<16xf32>
      %parallel_loop3A_270 = math.exp %parallel_loop3A_269 : vector<16xf32>
      %parallel_loop3A_271 = arith.constant 1024 : i32
      %parallel_loop3A_272 = arith.addi %parallel_loop3A_271, %parallel_loop3A_214 : i32
      %parallel_loop3A_273 = arith.index_cast %parallel_loop3A_272 : i32 to index
      %parallel_loop3A_274 = tpu.vector_load %arg8[%parallel_loop3A_273] {strides = array<i32>} : memref<1536xf32, #tpu.memory_space<vmem>>, vector<16xf32>,
      %parallel_loop3A_275 = vector.shape_cast %parallel_loop3A_274 : vector<16xf32> to vector<16xf32>
      %parallel_loop3A_276 = arith.constant 0.000000e+00 : f32
      %parallel_loop3A_277 = vector.broadcast %parallel_loop3A_276 : f32 to vector<16xf32>
      %parallel_loop3A_278 = arith.subf %parallel_loop3A_277, %parallel_loop3A_275 : vector<16xf32>
      %parallel_loop3A_279 = math.exp %parallel_loop3A_278 : vector<16xf32>
      %parallel_loop3A_280 = arith.constant 1.000000e+00 : f32
      %parallel_loop3A_281 = vector.broadcast %parallel_loop3A_280 : f32 to vector<16xf32>
      %parallel_loop3A_282 = arith.addf %parallel_loop3A_281, %parallel_loop3A_279 : vector<16xf32>
      %parallel_loop3A_283 = arith.addf %parallel_loop3A_270, %parallel_loop3A_282 : vector<16xf32>
      %parallel_loop3A_284 = arith.constant 1.000000e+00 : f32
      %parallel_loop3A_285 = vector.broadcast %parallel_loop3A_284 : f32 to vector<16xf32>
      %parallel_loop3A_286 = arith.addf %parallel_loop3A_285, %parallel_loop3A_270 : vector<16xf32>
      %parallel_loop3A_287 = arith.mulf %parallel_loop3A_282, %parallel_loop3A_286 : vector<16xf32>
      %parallel_loop3A_288 = arith.divf %parallel_loop3A_283, %parallel_loop3A_287 : vector<16xf32>
      %parallel_loop3A_289 = arith.select %ne3A_58, %parallel_loop3A_227, %parallel_loop3A_288 : vector<16xi1>, vector<16xf32>
      %parallel_loop3A_290 = arith.index_cast %parallel_loop3A_214 : i32 to index
      %parallel_loop3A_291 = tpu.vector_load %arg10[%parallel_loop3A_290] {strides = array<i32>} : memref<512xf32, #tpu.memory_space<vmem>>, vector<16xf32>,
      %parallel_loop3A_292 = vector.shape_cast %parallel_loop3A_291 : vector<16xf32> to vector<16xf32>
      %parallel_loop3A_293 = vector.shape_cast %parallel_loop3A_289 : vector<16xf32> to vector<16xf32>
      tpu.vector_store %arg10[%parallel_loop3A_290], %parallel_loop3A_293 {strides = array<i32>} : memref<512xf32, #tpu.memory_space<vmem>>, vector<16xf32>,
    } {sc.loop_unroll_factor = 2 : i64, sc.parallel_access}
    %dma_start3A_144 = arith.constant 384 : i32
    %dma_start3A_145 = tpu.memref_slice %arg10[%dma_start3A_144] : memref<512xf32, #tpu.memory_space<vmem>> -> memref<128xf32, #tpu.memory_space<vmem>>
    %dma_start3A_146 = arith.constant 0 : i32
    %dma_start3A_147 = tpu.memref_slice %arg6[%add3A, %dma_start3A_146] : memref<32x512xf32, #tpu.memory_space<hbm>> -> memref<1x512xf32, #tpu.memory_space<hbm>>
    %dma_start3A_148 = tpu.memref_squeeze %dma_start3A_147 : memref<1x512xf32, #tpu.memory_space<hbm>> -> memref<512xf32, #tpu.memory_space<hbm>>
    %dma_start3A_149 = arith.constant 384 : i32
    %dma_start3A_150 = tpu.memref_slice %dma_start3A_148[%dma_start3A_149] : memref<512xf32, #tpu.memory_space<hbm>> -> memref<128xf32, #tpu.memory_space<hbm>>
    %dma_start3A_151 = arith.constant 0 : i32
    %dma_start3A_152 = tpu.memref_slice %arg6[%add3A, %dma_start3A_151] : memref<32x512xf32, #tpu.memory_space<hbm>> -> memref<1x512xf32, #tpu.memory_space<hbm>>
    %dma_start3A_153 = tpu.memref_squeeze %dma_start3A_152 : memref<1x512xf32, #tpu.memory_space<hbm>> -> memref<512xf32, #tpu.memory_space<hbm>>
    %dma_start3A_154 = arith.constant 384 : i32
    %dma_start3A_155 = tpu.memref_slice %dma_start3A_153[%dma_start3A_154] : memref<512xf32, #tpu.memory_space<hbm>> -> memref<128xf32, #tpu.memory_space<hbm>>
    %dma_start3A_156 = arith.constant 384 : i32
    %dma_start3A_157 = tpu.memref_slice %arg10[%dma_start3A_156] : memref<512xf32, #tpu.memory_space<vmem>> -> memref<128xf32, #tpu.memory_space<vmem>>
    tpu.enqueue_dma source(%dma_start3A_157 : memref<128xf32, #tpu.memory_space<vmem>>) target(%dma_start3A_155 : memref<128xf32, #tpu.memory_space<hbm>>) target_semaphore(%arg17 : memref<!tpu.dma_semaphore, #tpu.memory_space<semaphore_mem>>)
    %dma_wait3A_158 = arith.constant 0 : i32
    %dma_wait3A_159 = tpu.memref_slice %arg10[%dma_wait3A_158] : memref<512xf32, #tpu.memory_space<vmem>> -> memref<128xf32, #tpu.memory_space<vmem>>
    %dma_wait3A_160 = arith.constant 0 : i32
    %dma_wait3A_161 = tpu.memref_slice %arg6[%add3A, %dma_wait3A_160] : memref<32x512xf32, #tpu.memory_space<hbm>> -> memref<1x512xf32, #tpu.memory_space<hbm>>
    %dma_wait3A_162 = tpu.memref_squeeze %dma_wait3A_161 : memref<1x512xf32, #tpu.memory_space<hbm>> -> memref<512xf32, #tpu.memory_space<hbm>>
    %dma_wait3A_163 = arith.constant 0 : i32
    %dma_wait3A_164 = tpu.memref_slice %dma_wait3A_162[%dma_wait3A_163] : memref<512xf32, #tpu.memory_space<hbm>> -> memref<128xf32, #tpu.memory_space<hbm>>
    %dma_wait3A_165 = arith.constant 0 : i32
    %dma_wait3A_166 = tpu.memref_slice %arg6[%add3A, %dma_wait3A_165] : memref<32x512xf32, #tpu.memory_space<hbm>> -> memref<1x512xf32, #tpu.memory_space<hbm>>
    %dma_wait3A_167 = tpu.memref_squeeze %dma_wait3A_166 : memref<1x512xf32, #tpu.memory_space<hbm>> -> memref<512xf32, #tpu.memory_space<hbm>>
    %dma_wait3A_168 = arith.constant 0 : i32
    %dma_wait3A_169 = tpu.memref_slice %dma_wait3A_167[%dma_wait3A_168] : memref<512xf32, #tpu.memory_space<hbm>> -> memref<128xf32, #tpu.memory_space<hbm>>
    %dma_wait3A_170 = arith.constant 0 : i32
    %dma_wait3A_171 = tpu.memref_slice %arg10[%dma_wait3A_170] : memref<512xf32, #tpu.memory_space<vmem>> -> memref<128xf32, #tpu.memory_space<vmem>>
    tpu.wait_dma2 semaphore(%arg17 : memref<!tpu.dma_semaphore, #tpu.memory_space<semaphore_mem>>) src(%dma_wait3A_171 : memref<128xf32, #tpu.memory_space<vmem>>) dst(%dma_wait3A_169 : memref<128xf32, #tpu.memory_space<hbm>>)
    %dma_wait3A_172 = arith.constant 128 : i32
    %dma_wait3A_173 = tpu.memref_slice %arg10[%dma_wait3A_172] : memref<512xf32, #tpu.memory_space<vmem>> -> memref<128xf32, #tpu.memory_space<vmem>>
    %dma_wait3A_174 = arith.constant 0 : i32
    %dma_wait3A_175 = tpu.memref_slice %arg6[%add3A, %dma_wait3A_174] : memref<32x512xf32, #tpu.memory_space<hbm>> -> memref<1x512xf32, #tpu.memory_space<hbm>>
    %dma_wait3A_176 = tpu.memref_squeeze %dma_wait3A_175 : memref<1x512xf32, #tpu.memory_space<hbm>> -> memref<512xf32, #tpu.memory_space<hbm>>
    %dma_wait3A_177 = arith.constant 128 : i32
    %dma_wait3A_178 = tpu.memref_slice %dma_wait3A_176[%dma_wait3A_177] : memref<512xf32, #tpu.memory_space<hbm>> -> memref<128xf32, #tpu.memory_space<hbm>>
    %dma_wait3A_179 = arith.constant 0 : i32
    %dma_wait3A_180 = tpu.memref_slice %arg6[%add3A, %dma_wait3A_179] : memref<32x512xf32, #tpu.memory_space<hbm>> -> memref<1x512xf32, #tpu.memory_space<hbm>>
    %dma_wait3A_181 = tpu.memref_squeeze %dma_wait3A_180 : memref<1x512xf32, #tpu.memory_space<hbm>> -> memref<512xf32, #tpu.memory_space<hbm>>
    %dma_wait3A_182 = arith.constant 128 : i32
    %dma_wait3A_183 = tpu.memref_slice %dma_wait3A_181[%dma_wait3A_182] : memref<512xf32, #tpu.memory_space<hbm>> -> memref<128xf32, #tpu.memory_space<hbm>>
    %dma_wait3A_184 = arith.constant 128 : i32
    %dma_wait3A_185 = tpu.memref_slice %arg10[%dma_wait3A_184] : memref<512xf32, #tpu.memory_space<vmem>> -> memref<128xf32, #tpu.memory_space<vmem>>
    tpu.wait_dma2 semaphore(%arg17 : memref<!tpu.dma_semaphore, #tpu.memory_space<semaphore_mem>>) src(%dma_wait3A_185 : memref<128xf32, #tpu.memory_space<vmem>>) dst(%dma_wait3A_183 : memref<128xf32, #tpu.memory_space<hbm>>)
    %dma_wait3A_186 = arith.constant 256 : i32
    %dma_wait3A_187 = tpu.memref_slice %arg10[%dma_wait3A_186] : memref<512xf32, #tpu.memory_space<vmem>> -> memref<128xf32, #tpu.memory_space<vmem>>
    %dma_wait3A_188 = arith.constant 0 : i32
    %dma_wait3A_189 = tpu.memref_slice %arg6[%add3A, %dma_wait3A_188] : memref<32x512xf32, #tpu.memory_space<hbm>> -> memref<1x512xf32, #tpu.memory_space<hbm>>
    %dma_wait3A_190 = tpu.memref_squeeze %dma_wait3A_189 : memref<1x512xf32, #tpu.memory_space<hbm>> -> memref<512xf32, #tpu.memory_space<hbm>>
    %dma_wait3A_191 = arith.constant 256 : i32
    %dma_wait3A_192 = tpu.memref_slice %dma_wait3A_190[%dma_wait3A_191] : memref<512xf32, #tpu.memory_space<hbm>> -> memref<128xf32, #tpu.memory_space<hbm>>
    %dma_wait3A_193 = arith.constant 0 : i32
    %dma_wait3A_194 = tpu.memref_slice %arg6[%add3A, %dma_wait3A_193] : memref<32x512xf32, #tpu.memory_space<hbm>> -> memref<1x512xf32, #tpu.memory_space<hbm>>
    %dma_wait3A_195 = tpu.memref_squeeze %dma_wait3A_194 : memref<1x512xf32, #tpu.memory_space<hbm>> -> memref<512xf32, #tpu.memory_space<hbm>>
    %dma_wait3A_196 = arith.constant 256 : i32
    %dma_wait3A_197 = tpu.memref_slice %dma_wait3A_195[%dma_wait3A_196] : memref<512xf32, #tpu.memory_space<hbm>> -> memref<128xf32, #tpu.memory_space<hbm>>
    %dma_wait3A_198 = arith.constant 256 : i32
    %dma_wait3A_199 = tpu.memref_slice %arg10[%dma_wait3A_198] : memref<512xf32, #tpu.memory_space<vmem>> -> memref<128xf32, #tpu.memory_space<vmem>>
    tpu.wait_dma2 semaphore(%arg17 : memref<!tpu.dma_semaphore, #tpu.memory_space<semaphore_mem>>) src(%dma_wait3A_199 : memref<128xf32, #tpu.memory_space<vmem>>) dst(%dma_wait3A_197 : memref<128xf32, #tpu.memory_space<hbm>>)
    %dma_wait3A_200 = arith.constant 384 : i32
    %dma_wait3A_201 = tpu.memref_slice %arg10[%dma_wait3A_200] : memref<512xf32, #tpu.memory_space<vmem>> -> memref<128xf32, #tpu.memory_space<vmem>>
    %dma_wait3A_202 = arith.constant 0 : i32
    %dma_wait3A_203 = tpu.memref_slice %arg6[%add3A, %dma_wait3A_202] : memref<32x512xf32, #tpu.memory_space<hbm>> -> memref<1x512xf32, #tpu.memory_space<hbm>>
    %dma_wait3A_204 = tpu.memref_squeeze %dma_wait3A_203 : memref<1x512xf32, #tpu.memory_space<hbm>> -> memref<512xf32, #tpu.memory_space<hbm>>
    %dma_wait3A_205 = arith.constant 384 : i32
    %dma_wait3A_206 = tpu.memref_slice %dma_wait3A_204[%dma_wait3A_205] : memref<512xf32, #tpu.memory_space<hbm>> -> memref<128xf32, #tpu.memory_space<hbm>>
    %dma_wait3A_207 = arith.constant 0 : i32
    %dma_wait3A_208 = tpu.memref_slice %arg6[%add3A, %dma_wait3A_207] : memref<32x512xf32, #tpu.memory_space<hbm>> -> memref<1x512xf32, #tpu.memory_space<hbm>>
    %dma_wait3A_209 = tpu.memref_squeeze %dma_wait3A_208 : memref<1x512xf32, #tpu.memory_space<hbm>> -> memref<512xf32, #tpu.memory_space<hbm>>
    %dma_wait3A_210 = arith.constant 384 : i32
    %dma_wait3A_211 = tpu.memref_slice %dma_wait3A_209[%dma_wait3A_210] : memref<512xf32, #tpu.memory_space<hbm>> -> memref<128xf32, #tpu.memory_space<hbm>>
    %dma_wait3A_212 = arith.constant 384 : i32
    %dma_wait3A_213 = tpu.memref_slice %arg10[%dma_wait3A_212] : memref<512xf32, #tpu.memory_space<vmem>> -> memref<128xf32, #tpu.memory_space<vmem>>
    tpu.wait_dma2 semaphore(%arg17 : memref<!tpu.dma_semaphore, #tpu.memory_space<semaphore_mem>>) src(%dma_wait3A_213 : memref<128xf32, #tpu.memory_space<vmem>>) dst(%dma_wait3A_211 : memref<128xf32, #tpu.memory_space<hbm>>)
    return
  }
}

#map = affine_map<(d0, d1) -> (0, 0, 0)>
#map1 = affine_map<(d0, d1) -> (0)>
module attributes {stable_mosaic.version = 14 : i64} {
  func.func @_abc_gather_kernel(%arg0: i32, %arg1: i32, %arg2: memref<32x4x128xi32, #tpu.memory_space<hbm>>, %arg3: memref<100000xf32, #tpu.memory_space<hbm>>, %arg4: memref<100000xf32, #tpu.memory_space<hbm>>, %arg5: memref<100000xf32, #tpu.memory_space<hbm>>, %arg6: memref<49152xf32, #tpu.memory_space<hbm>>, %arg7: memref<4x128xi32, #tpu.memory_space<vmem>>, %arg8: memref<1536xf32, #tpu.memory_space<vmem>>, %arg9: memref<!tpu.dma_semaphore, #tpu.memory_space<semaphore_mem>>, %arg10: memref<!tpu.dma_semaphore, #tpu.memory_space<semaphore_mem>>, %arg11: memref<!tpu.dma_semaphore, #tpu.memory_space<semaphore_mem>>, %arg12: memref<!tpu.dma_semaphore, #tpu.memory_space<semaphore_mem>>, %arg13: memref<!tpu.dma_semaphore, #tpu.memory_space<semaphore_mem>>) attributes {dimension_semantics = [#tpu.dimension_semantics<core_parallel>, #tpu.dimension_semantics<subcore_parallel>], iteration_bounds = array<i64: 2, 16>, scalar_prefetch = 0 : i64, scratch_operands = 7 : i64, tpu.core_type = #tpu.core_type<sc_vector_subcore>, window_params = [{transform_indices = #map}, {transform_indices = #map1}, {transform_indices = #map1}, {transform_indices = #map1}, {transform_indices = #map1}]} {
    %mul3A = arith.constant 2 : i32
    %mul3A_0 = arith.muli %arg1, %mul3A : i32
    %add3A = arith.addi %mul3A_0, %arg0 : i32
    %dma_start3A = arith.constant 0 : i32
    %dma_start3A_1 = arith.constant 0 : i32
    %dma_start3A_2 = tpu.memref_slice %arg2[%add3A, %dma_start3A, %dma_start3A_1] : memref<32x4x128xi32, #tpu.memory_space<hbm>> -> memref<1x4x128xi32, #tpu.memory_space<hbm>>
    %dma_start3A_3 = tpu.memref_squeeze %dma_start3A_2 : memref<1x4x128xi32, #tpu.memory_space<hbm>> -> memref<4x128xi32, #tpu.memory_space<hbm>>
    %dma_start3A_4 = arith.constant 0 : i32
    %dma_start3A_5 = arith.constant 0 : i32
    %dma_start3A_6 = tpu.memref_slice %arg2[%add3A, %dma_start3A_4, %dma_start3A_5] : memref<32x4x128xi32, #tpu.memory_space<hbm>> -> memref<1x4x128xi32, #tpu.memory_space<hbm>>
    %dma_start3A_7 = tpu.memref_squeeze %dma_start3A_6 : memref<1x4x128xi32, #tpu.memory_space<hbm>> -> memref<4x128xi32, #tpu.memory_space<hbm>>
    tpu.enqueue_dma source(%dma_start3A_7 : memref<4x128xi32, #tpu.memory_space<hbm>>) target(%arg7 : memref<4x128xi32, #tpu.memory_space<vmem>>) target_semaphore(%arg9 : memref<!tpu.dma_semaphore, #tpu.memory_space<semaphore_mem>>)
    %dma_wait3A = arith.constant 0 : i32
    %dma_wait3A_8 = arith.constant 0 : i32
    %dma_wait3A_9 = tpu.memref_slice %arg2[%add3A, %dma_wait3A, %dma_wait3A_8] : memref<32x4x128xi32, #tpu.memory_space<hbm>> -> memref<1x4x128xi32, #tpu.memory_space<hbm>>
    %dma_wait3A_10 = tpu.memref_squeeze %dma_wait3A_9 : memref<1x4x128xi32, #tpu.memory_space<hbm>> -> memref<4x128xi32, #tpu.memory_space<hbm>>
    %dma_wait3A_11 = arith.constant 0 : i32
    %dma_wait3A_12 = arith.constant 0 : i32
    %dma_wait3A_13 = tpu.memref_slice %arg2[%add3A, %dma_wait3A_11, %dma_wait3A_12] : memref<32x4x128xi32, #tpu.memory_space<hbm>> -> memref<1x4x128xi32, #tpu.memory_space<hbm>>
    %dma_wait3A_14 = tpu.memref_squeeze %dma_wait3A_13 : memref<1x4x128xi32, #tpu.memory_space<hbm>> -> memref<4x128xi32, #tpu.memory_space<hbm>>
    tpu.wait_dma2 semaphore(%arg9 : memref<!tpu.dma_semaphore, #tpu.memory_space<semaphore_mem>>) src(%dma_wait3A_14 : memref<4x128xi32, #tpu.memory_space<hbm>>) dst(%arg7 : memref<4x128xi32, #tpu.memory_space<vmem>>)
    %dma_start3A_15 = arith.constant 0 : i32
    %dma_start3A_16 = arith.constant 0 : i32
    %dma_start3A_17 = tpu.memref_slice %arg8[%dma_start3A_16] : memref<1536xf32, #tpu.memory_space<vmem>> -> memref<128xf32, #tpu.memory_space<vmem>>
    %dma_start3A_18 = arith.constant 0 : i32
    %dma_start3A_19 = tpu.memref_slice %arg7[%dma_start3A_15, %dma_start3A_18] : memref<4x128xi32, #tpu.memory_space<vmem>> -> memref<1x128xi32, #tpu.memory_space<vmem>>
    %dma_start3A_20 = tpu.memref_squeeze %dma_start3A_19 : memref<1x128xi32, #tpu.memory_space<vmem>> -> memref<128xi32, #tpu.memory_space<vmem>>
    %dma_start3A_21 = arith.constant 0 : i32
    %dma_start3A_22 = tpu.memref_slice %arg3[%dma_start3A_21] : memref<100000xf32, #tpu.memory_space<hbm>> -> memref<100000xf32, #tpu.memory_space<hbm>>
    tpu.enqueue_indirect_dma source(%dma_start3A_22 : memref<100000xf32, #tpu.memory_space<hbm>>) target(%dma_start3A_17 : memref<128xf32, #tpu.memory_space<vmem>>) offsets(%dma_start3A_20 : memref<128xi32, #tpu.memory_space<vmem>>) semaphore(%arg9 : memref<!tpu.dma_semaphore, #tpu.memory_space<semaphore_mem>>)
    %dma_start3A_23 = arith.constant 0 : i32
    %dma_start3A_24 = arith.constant 512 : i32
    %dma_start3A_25 = tpu.memref_slice %arg8[%dma_start3A_24] : memref<1536xf32, #tpu.memory_space<vmem>> -> memref<128xf32, #tpu.memory_space<vmem>>
    %dma_start3A_26 = arith.constant 0 : i32
    %dma_start3A_27 = tpu.memref_slice %arg7[%dma_start3A_23, %dma_start3A_26] : memref<4x128xi32, #tpu.memory_space<vmem>> -> memref<1x128xi32, #tpu.memory_space<vmem>>
    %dma_start3A_28 = tpu.memref_squeeze %dma_start3A_27 : memref<1x128xi32, #tpu.memory_space<vmem>> -> memref<128xi32, #tpu.memory_space<vmem>>
    %dma_start3A_29 = arith.constant 0 : i32
    %dma_start3A_30 = tpu.memref_slice %arg4[%dma_start3A_29] : memref<100000xf32, #tpu.memory_space<hbm>> -> memref<100000xf32, #tpu.memory_space<hbm>>
    tpu.enqueue_indirect_dma source(%dma_start3A_30 : memref<100000xf32, #tpu.memory_space<hbm>>) target(%dma_start3A_25 : memref<128xf32, #tpu.memory_space<vmem>>) offsets(%dma_start3A_28 : memref<128xi32, #tpu.memory_space<vmem>>) semaphore(%arg9 : memref<!tpu.dma_semaphore, #tpu.memory_space<semaphore_mem>>)
    %dma_start3A_31 = arith.constant 0 : i32
    %dma_start3A_32 = arith.constant 1024 : i32
    %dma_start3A_33 = tpu.memref_slice %arg8[%dma_start3A_32] : memref<1536xf32, #tpu.memory_space<vmem>> -> memref<128xf32, #tpu.memory_space<vmem>>
    %dma_start3A_34 = arith.constant 0 : i32
    %dma_start3A_35 = tpu.memref_slice %arg7[%dma_start3A_31, %dma_start3A_34] : memref<4x128xi32, #tpu.memory_space<vmem>> -> memref<1x128xi32, #tpu.memory_space<vmem>>
    %dma_start3A_36 = tpu.memref_squeeze %dma_start3A_35 : memref<1x128xi32, #tpu.memory_space<vmem>> -> memref<128xi32, #tpu.memory_space<vmem>>
    %dma_start3A_37 = arith.constant 0 : i32
    %dma_start3A_38 = tpu.memref_slice %arg5[%dma_start3A_37] : memref<100000xf32, #tpu.memory_space<hbm>> -> memref<100000xf32, #tpu.memory_space<hbm>>
    tpu.enqueue_indirect_dma source(%dma_start3A_38 : memref<100000xf32, #tpu.memory_space<hbm>>) target(%dma_start3A_33 : memref<128xf32, #tpu.memory_space<vmem>>) offsets(%dma_start3A_36 : memref<128xi32, #tpu.memory_space<vmem>>) semaphore(%arg9 : memref<!tpu.dma_semaphore, #tpu.memory_space<semaphore_mem>>)
    %dma_start3A_39 = arith.constant 1 : i32
    %dma_start3A_40 = arith.constant 128 : i32
    %dma_start3A_41 = tpu.memref_slice %arg8[%dma_start3A_40] : memref<1536xf32, #tpu.memory_space<vmem>> -> memref<128xf32, #tpu.memory_space<vmem>>
    %dma_start3A_42 = arith.constant 0 : i32
    %dma_start3A_43 = tpu.memref_slice %arg7[%dma_start3A_39, %dma_start3A_42] : memref<4x128xi32, #tpu.memory_space<vmem>> -> memref<1x128xi32, #tpu.memory_space<vmem>>
    %dma_start3A_44 = tpu.memref_squeeze %dma_start3A_43 : memref<1x128xi32, #tpu.memory_space<vmem>> -> memref<128xi32, #tpu.memory_space<vmem>>
    %dma_start3A_45 = arith.constant 0 : i32
    %dma_start3A_46 = tpu.memref_slice %arg3[%dma_start3A_45] : memref<100000xf32, #tpu.memory_space<hbm>> -> memref<100000xf32, #tpu.memory_space<hbm>>
    tpu.enqueue_indirect_dma source(%dma_start3A_46 : memref<100000xf32, #tpu.memory_space<hbm>>) target(%dma_start3A_41 : memref<128xf32, #tpu.memory_space<vmem>>) offsets(%dma_start3A_44 : memref<128xi32, #tpu.memory_space<vmem>>) semaphore(%arg10 : memref<!tpu.dma_semaphore, #tpu.memory_space<semaphore_mem>>)
    %dma_start3A_47 = arith.constant 1 : i32
    %dma_start3A_48 = arith.constant 640 : i32
    %dma_start3A_49 = tpu.memref_slice %arg8[%dma_start3A_48] : memref<1536xf32, #tpu.memory_space<vmem>> -> memref<128xf32, #tpu.memory_space<vmem>>
    %dma_start3A_50 = arith.constant 0 : i32
    %dma_start3A_51 = tpu.memref_slice %arg7[%dma_start3A_47, %dma_start3A_50] : memref<4x128xi32, #tpu.memory_space<vmem>> -> memref<1x128xi32, #tpu.memory_space<vmem>>
    %dma_start3A_52 = tpu.memref_squeeze %dma_start3A_51 : memref<1x128xi32, #tpu.memory_space<vmem>> -> memref<128xi32, #tpu.memory_space<vmem>>
    %dma_start3A_53 = arith.constant 0 : i32
    %dma_start3A_54 = tpu.memref_slice %arg4[%dma_start3A_53] : memref<100000xf32, #tpu.memory_space<hbm>> -> memref<100000xf32, #tpu.memory_space<hbm>>
    tpu.enqueue_indirect_dma source(%dma_start3A_54 : memref<100000xf32, #tpu.memory_space<hbm>>) target(%dma_start3A_49 : memref<128xf32, #tpu.memory_space<vmem>>) offsets(%dma_start3A_52 : memref<128xi32, #tpu.memory_space<vmem>>) semaphore(%arg10 : memref<!tpu.dma_semaphore, #tpu.memory_space<semaphore_mem>>)
    %dma_start3A_55 = arith.constant 1 : i32
    %dma_start3A_56 = arith.constant 1152 : i32
    %dma_start3A_57 = tpu.memref_slice %arg8[%dma_start3A_56] : memref<1536xf32, #tpu.memory_space<vmem>> -> memref<128xf32, #tpu.memory_space<vmem>>
    %dma_start3A_58 = arith.constant 0 : i32
    %dma_start3A_59 = tpu.memref_slice %arg7[%dma_start3A_55, %dma_start3A_58] : memref<4x128xi32, #tpu.memory_space<vmem>> -> memref<1x128xi32, #tpu.memory_space<vmem>>
    %dma_start3A_60 = tpu.memref_squeeze %dma_start3A_59 : memref<1x128xi32, #tpu.memory_space<vmem>> -> memref<128xi32, #tpu.memory_space<vmem>>
    %dma_start3A_61 = arith.constant 0 : i32
    %dma_start3A_62 = tpu.memref_slice %arg5[%dma_start3A_61] : memref<100000xf32, #tpu.memory_space<hbm>> -> memref<100000xf32, #tpu.memory_space<hbm>>
    tpu.enqueue_indirect_dma source(%dma_start3A_62 : memref<100000xf32, #tpu.memory_space<hbm>>) target(%dma_start3A_57 : memref<128xf32, #tpu.memory_space<vmem>>) offsets(%dma_start3A_60 : memref<128xi32, #tpu.memory_space<vmem>>) semaphore(%arg10 : memref<!tpu.dma_semaphore, #tpu.memory_space<semaphore_mem>>)
    %dma_start3A_63 = arith.constant 2 : i32
    %dma_start3A_64 = arith.constant 256 : i32
    %dma_start3A_65 = tpu.memref_slice %arg8[%dma_start3A_64] : memref<1536xf32, #tpu.memory_space<vmem>> -> memref<128xf32, #tpu.memory_space<vmem>>
    %dma_start3A_66 = arith.constant 0 : i32
    %dma_start3A_67 = tpu.memref_slice %arg7[%dma_start3A_63, %dma_start3A_66] : memref<4x128xi32, #tpu.memory_space<vmem>> -> memref<1x128xi32, #tpu.memory_space<vmem>>
    %dma_start3A_68 = tpu.memref_squeeze %dma_start3A_67 : memref<1x128xi32, #tpu.memory_space<vmem>> -> memref<128xi32, #tpu.memory_space<vmem>>
    %dma_start3A_69 = arith.constant 0 : i32
    %dma_start3A_70 = tpu.memref_slice %arg3[%dma_start3A_69] : memref<100000xf32, #tpu.memory_space<hbm>> -> memref<100000xf32, #tpu.memory_space<hbm>>
    tpu.enqueue_indirect_dma source(%dma_start3A_70 : memref<100000xf32, #tpu.memory_space<hbm>>) target(%dma_start3A_65 : memref<128xf32, #tpu.memory_space<vmem>>) offsets(%dma_start3A_68 : memref<128xi32, #tpu.memory_space<vmem>>) semaphore(%arg11 : memref<!tpu.dma_semaphore, #tpu.memory_space<semaphore_mem>>)
    %dma_start3A_71 = arith.constant 2 : i32
    %dma_start3A_72 = arith.constant 768 : i32
    %dma_start3A_73 = tpu.memref_slice %arg8[%dma_start3A_72] : memref<1536xf32, #tpu.memory_space<vmem>> -> memref<128xf32, #tpu.memory_space<vmem>>
    %dma_start3A_74 = arith.constant 0 : i32
    %dma_start3A_75 = tpu.memref_slice %arg7[%dma_start3A_71, %dma_start3A_74] : memref<4x128xi32, #tpu.memory_space<vmem>> -> memref<1x128xi32, #tpu.memory_space<vmem>>
    %dma_start3A_76 = tpu.memref_squeeze %dma_start3A_75 : memref<1x128xi32, #tpu.memory_space<vmem>> -> memref<128xi32, #tpu.memory_space<vmem>>
    %dma_start3A_77 = arith.constant 0 : i32
    %dma_start3A_78 = tpu.memref_slice %arg4[%dma_start3A_77] : memref<100000xf32, #tpu.memory_space<hbm>> -> memref<100000xf32, #tpu.memory_space<hbm>>
    tpu.enqueue_indirect_dma source(%dma_start3A_78 : memref<100000xf32, #tpu.memory_space<hbm>>) target(%dma_start3A_73 : memref<128xf32, #tpu.memory_space<vmem>>) offsets(%dma_start3A_76 : memref<128xi32, #tpu.memory_space<vmem>>) semaphore(%arg11 : memref<!tpu.dma_semaphore, #tpu.memory_space<semaphore_mem>>)
    %dma_start3A_79 = arith.constant 2 : i32
    %dma_start3A_80 = arith.constant 1280 : i32
    %dma_start3A_81 = tpu.memref_slice %arg8[%dma_start3A_80] : memref<1536xf32, #tpu.memory_space<vmem>> -> memref<128xf32, #tpu.memory_space<vmem>>
    %dma_start3A_82 = arith.constant 0 : i32
    %dma_start3A_83 = tpu.memref_slice %arg7[%dma_start3A_79, %dma_start3A_82] : memref<4x128xi32, #tpu.memory_space<vmem>> -> memref<1x128xi32, #tpu.memory_space<vmem>>
    %dma_start3A_84 = tpu.memref_squeeze %dma_start3A_83 : memref<1x128xi32, #tpu.memory_space<vmem>> -> memref<128xi32, #tpu.memory_space<vmem>>
    %dma_start3A_85 = arith.constant 0 : i32
    %dma_start3A_86 = tpu.memref_slice %arg5[%dma_start3A_85] : memref<100000xf32, #tpu.memory_space<hbm>> -> memref<100000xf32, #tpu.memory_space<hbm>>
    tpu.enqueue_indirect_dma source(%dma_start3A_86 : memref<100000xf32, #tpu.memory_space<hbm>>) target(%dma_start3A_81 : memref<128xf32, #tpu.memory_space<vmem>>) offsets(%dma_start3A_84 : memref<128xi32, #tpu.memory_space<vmem>>) semaphore(%arg11 : memref<!tpu.dma_semaphore, #tpu.memory_space<semaphore_mem>>)
    %dma_start3A_87 = arith.constant 3 : i32
    %dma_start3A_88 = arith.constant 384 : i32
    %dma_start3A_89 = tpu.memref_slice %arg8[%dma_start3A_88] : memref<1536xf32, #tpu.memory_space<vmem>> -> memref<128xf32, #tpu.memory_space<vmem>>
    %dma_start3A_90 = arith.constant 0 : i32
    %dma_start3A_91 = tpu.memref_slice %arg7[%dma_start3A_87, %dma_start3A_90] : memref<4x128xi32, #tpu.memory_space<vmem>> -> memref<1x128xi32, #tpu.memory_space<vmem>>
    %dma_start3A_92 = tpu.memref_squeeze %dma_start3A_91 : memref<1x128xi32, #tpu.memory_space<vmem>> -> memref<128xi32, #tpu.memory_space<vmem>>
    %dma_start3A_93 = arith.constant 0 : i32
    %dma_start3A_94 = tpu.memref_slice %arg3[%dma_start3A_93] : memref<100000xf32, #tpu.memory_space<hbm>> -> memref<100000xf32, #tpu.memory_space<hbm>>
    tpu.enqueue_indirect_dma source(%dma_start3A_94 : memref<100000xf32, #tpu.memory_space<hbm>>) target(%dma_start3A_89 : memref<128xf32, #tpu.memory_space<vmem>>) offsets(%dma_start3A_92 : memref<128xi32, #tpu.memory_space<vmem>>) semaphore(%arg12 : memref<!tpu.dma_semaphore, #tpu.memory_space<semaphore_mem>>)
    %dma_start3A_95 = arith.constant 3 : i32
    %dma_start3A_96 = arith.constant 896 : i32
    %dma_start3A_97 = tpu.memref_slice %arg8[%dma_start3A_96] : memref<1536xf32, #tpu.memory_space<vmem>> -> memref<128xf32, #tpu.memory_space<vmem>>
    %dma_start3A_98 = arith.constant 0 : i32
    %dma_start3A_99 = tpu.memref_slice %arg7[%dma_start3A_95, %dma_start3A_98] : memref<4x128xi32, #tpu.memory_space<vmem>> -> memref<1x128xi32, #tpu.memory_space<vmem>>
    %dma_start3A_100 = tpu.memref_squeeze %dma_start3A_99 : memref<1x128xi32, #tpu.memory_space<vmem>> -> memref<128xi32, #tpu.memory_space<vmem>>
    %dma_start3A_101 = arith.constant 0 : i32
    %dma_start3A_102 = tpu.memref_slice %arg4[%dma_start3A_101] : memref<100000xf32, #tpu.memory_space<hbm>> -> memref<100000xf32, #tpu.memory_space<hbm>>
    tpu.enqueue_indirect_dma source(%dma_start3A_102 : memref<100000xf32, #tpu.memory_space<hbm>>) target(%dma_start3A_97 : memref<128xf32, #tpu.memory_space<vmem>>) offsets(%dma_start3A_100 : memref<128xi32, #tpu.memory_space<vmem>>) semaphore(%arg12 : memref<!tpu.dma_semaphore, #tpu.memory_space<semaphore_mem>>)
    %dma_start3A_103 = arith.constant 3 : i32
    %dma_start3A_104 = arith.constant 1408 : i32
    %dma_start3A_105 = tpu.memref_slice %arg8[%dma_start3A_104] : memref<1536xf32, #tpu.memory_space<vmem>> -> memref<128xf32, #tpu.memory_space<vmem>>
    %dma_start3A_106 = arith.constant 0 : i32
    %dma_start3A_107 = tpu.memref_slice %arg7[%dma_start3A_103, %dma_start3A_106] : memref<4x128xi32, #tpu.memory_space<vmem>> -> memref<1x128xi32, #tpu.memory_space<vmem>>
    %dma_start3A_108 = tpu.memref_squeeze %dma_start3A_107 : memref<1x128xi32, #tpu.memory_space<vmem>> -> memref<128xi32, #tpu.memory_space<vmem>>
    %dma_start3A_109 = arith.constant 0 : i32
    %dma_start3A_110 = tpu.memref_slice %arg5[%dma_start3A_109] : memref<100000xf32, #tpu.memory_space<hbm>> -> memref<100000xf32, #tpu.memory_space<hbm>>
    tpu.enqueue_indirect_dma source(%dma_start3A_110 : memref<100000xf32, #tpu.memory_space<hbm>>) target(%dma_start3A_105 : memref<128xf32, #tpu.memory_space<vmem>>) offsets(%dma_start3A_108 : memref<128xi32, #tpu.memory_space<vmem>>) semaphore(%arg12 : memref<!tpu.dma_semaphore, #tpu.memory_space<semaphore_mem>>)
    %dma_wait3A_111 = arith.constant 0 : i32
    %dma_wait3A_112 = arith.constant 0 : i32
    %dma_wait3A_113 = tpu.memref_slice %arg8[%dma_wait3A_112] : memref<1536xf32, #tpu.memory_space<vmem>> -> memref<128xf32, #tpu.memory_space<vmem>>
    %dma_wait3A_114 = arith.constant 0 : i32
    %dma_wait3A_115 = tpu.memref_slice %arg7[%dma_wait3A_111, %dma_wait3A_114] : memref<4x128xi32, #tpu.memory_space<vmem>> -> memref<1x128xi32, #tpu.memory_space<vmem>>
    %dma_wait3A_116 = tpu.memref_squeeze %dma_wait3A_115 : memref<1x128xi32, #tpu.memory_space<vmem>> -> memref<128xi32, #tpu.memory_space<vmem>>
    %dma_wait3A_117 = arith.constant 0 : i32
    %dma_wait3A_118 = tpu.memref_slice %arg3[%dma_wait3A_117] : memref<100000xf32, #tpu.memory_space<hbm>> -> memref<100000xf32, #tpu.memory_space<hbm>>
    tpu.wait_indirect_dma semaphore(%arg9 : memref<!tpu.dma_semaphore, #tpu.memory_space<semaphore_mem>>) src(%dma_wait3A_118 : memref<100000xf32, #tpu.memory_space<hbm>>) dst(%dma_wait3A_113 : memref<128xf32, #tpu.memory_space<vmem>>)
    %dma_wait3A_119 = arith.constant 0 : i32
    %dma_wait3A_120 = arith.constant 512 : i32
    %dma_wait3A_121 = tpu.memref_slice %arg8[%dma_wait3A_120] : memref<1536xf32, #tpu.memory_space<vmem>> -> memref<128xf32, #tpu.memory_space<vmem>>
    %dma_wait3A_122 = arith.constant 0 : i32
    %dma_wait3A_123 = tpu.memref_slice %arg7[%dma_wait3A_119, %dma_wait3A_122] : memref<4x128xi32, #tpu.memory_space<vmem>> -> memref<1x128xi32, #tpu.memory_space<vmem>>
    %dma_wait3A_124 = tpu.memref_squeeze %dma_wait3A_123 : memref<1x128xi32, #tpu.memory_space<vmem>> -> memref<128xi32, #tpu.memory_space<vmem>>
    %dma_wait3A_125 = arith.constant 0 : i32
    %dma_wait3A_126 = tpu.memref_slice %arg4[%dma_wait3A_125] : memref<100000xf32, #tpu.memory_space<hbm>> -> memref<100000xf32, #tpu.memory_space<hbm>>
    tpu.wait_indirect_dma semaphore(%arg9 : memref<!tpu.dma_semaphore, #tpu.memory_space<semaphore_mem>>) src(%dma_wait3A_126 : memref<100000xf32, #tpu.memory_space<hbm>>) dst(%dma_wait3A_121 : memref<128xf32, #tpu.memory_space<vmem>>)
    %dma_wait3A_127 = arith.constant 0 : i32
    %dma_wait3A_128 = arith.constant 1024 : i32
    %dma_wait3A_129 = tpu.memref_slice %arg8[%dma_wait3A_128] : memref<1536xf32, #tpu.memory_space<vmem>> -> memref<128xf32, #tpu.memory_space<vmem>>
    %dma_wait3A_130 = arith.constant 0 : i32
    %dma_wait3A_131 = tpu.memref_slice %arg7[%dma_wait3A_127, %dma_wait3A_130] : memref<4x128xi32, #tpu.memory_space<vmem>> -> memref<1x128xi32, #tpu.memory_space<vmem>>
    %dma_wait3A_132 = tpu.memref_squeeze %dma_wait3A_131 : memref<1x128xi32, #tpu.memory_space<vmem>> -> memref<128xi32, #tpu.memory_space<vmem>>
    %dma_wait3A_133 = arith.constant 0 : i32
    %dma_wait3A_134 = tpu.memref_slice %arg5[%dma_wait3A_133] : memref<100000xf32, #tpu.memory_space<hbm>> -> memref<100000xf32, #tpu.memory_space<hbm>>
    tpu.wait_indirect_dma semaphore(%arg9 : memref<!tpu.dma_semaphore, #tpu.memory_space<semaphore_mem>>) src(%dma_wait3A_134 : memref<100000xf32, #tpu.memory_space<hbm>>) dst(%dma_wait3A_129 : memref<128xf32, #tpu.memory_space<vmem>>)
    %dma_wait3A_135 = arith.constant 1 : i32
    %dma_wait3A_136 = arith.constant 128 : i32
    %dma_wait3A_137 = tpu.memref_slice %arg8[%dma_wait3A_136] : memref<1536xf32, #tpu.memory_space<vmem>> -> memref<128xf32, #tpu.memory_space<vmem>>
    %dma_wait3A_138 = arith.constant 0 : i32
    %dma_wait3A_139 = tpu.memref_slice %arg7[%dma_wait3A_135, %dma_wait3A_138] : memref<4x128xi32, #tpu.memory_space<vmem>> -> memref<1x128xi32, #tpu.memory_space<vmem>>
    %dma_wait3A_140 = tpu.memref_squeeze %dma_wait3A_139 : memref<1x128xi32, #tpu.memory_space<vmem>> -> memref<128xi32, #tpu.memory_space<vmem>>
    %dma_wait3A_141 = arith.constant 0 : i32
    %dma_wait3A_142 = tpu.memref_slice %arg3[%dma_wait3A_141] : memref<100000xf32, #tpu.memory_space<hbm>> -> memref<100000xf32, #tpu.memory_space<hbm>>
    tpu.wait_indirect_dma semaphore(%arg10 : memref<!tpu.dma_semaphore, #tpu.memory_space<semaphore_mem>>) src(%dma_wait3A_142 : memref<100000xf32, #tpu.memory_space<hbm>>) dst(%dma_wait3A_137 : memref<128xf32, #tpu.memory_space<vmem>>)
    %dma_wait3A_143 = arith.constant 1 : i32
    %dma_wait3A_144 = arith.constant 640 : i32
    %dma_wait3A_145 = tpu.memref_slice %arg8[%dma_wait3A_144] : memref<1536xf32, #tpu.memory_space<vmem>> -> memref<128xf32, #tpu.memory_space<vmem>>
    %dma_wait3A_146 = arith.constant 0 : i32
    %dma_wait3A_147 = tpu.memref_slice %arg7[%dma_wait3A_143, %dma_wait3A_146] : memref<4x128xi32, #tpu.memory_space<vmem>> -> memref<1x128xi32, #tpu.memory_space<vmem>>
    %dma_wait3A_148 = tpu.memref_squeeze %dma_wait3A_147 : memref<1x128xi32, #tpu.memory_space<vmem>> -> memref<128xi32, #tpu.memory_space<vmem>>
    %dma_wait3A_149 = arith.constant 0 : i32
    %dma_wait3A_150 = tpu.memref_slice %arg4[%dma_wait3A_149] : memref<100000xf32, #tpu.memory_space<hbm>> -> memref<100000xf32, #tpu.memory_space<hbm>>
    tpu.wait_indirect_dma semaphore(%arg10 : memref<!tpu.dma_semaphore, #tpu.memory_space<semaphore_mem>>) src(%dma_wait3A_150 : memref<100000xf32, #tpu.memory_space<hbm>>) dst(%dma_wait3A_145 : memref<128xf32, #tpu.memory_space<vmem>>)
    %dma_wait3A_151 = arith.constant 1 : i32
    %dma_wait3A_152 = arith.constant 1152 : i32
    %dma_wait3A_153 = tpu.memref_slice %arg8[%dma_wait3A_152] : memref<1536xf32, #tpu.memory_space<vmem>> -> memref<128xf32, #tpu.memory_space<vmem>>
    %dma_wait3A_154 = arith.constant 0 : i32
    %dma_wait3A_155 = tpu.memref_slice %arg7[%dma_wait3A_151, %dma_wait3A_154] : memref<4x128xi32, #tpu.memory_space<vmem>> -> memref<1x128xi32, #tpu.memory_space<vmem>>
    %dma_wait3A_156 = tpu.memref_squeeze %dma_wait3A_155 : memref<1x128xi32, #tpu.memory_space<vmem>> -> memref<128xi32, #tpu.memory_space<vmem>>
    %dma_wait3A_157 = arith.constant 0 : i32
    %dma_wait3A_158 = tpu.memref_slice %arg5[%dma_wait3A_157] : memref<100000xf32, #tpu.memory_space<hbm>> -> memref<100000xf32, #tpu.memory_space<hbm>>
    tpu.wait_indirect_dma semaphore(%arg10 : memref<!tpu.dma_semaphore, #tpu.memory_space<semaphore_mem>>) src(%dma_wait3A_158 : memref<100000xf32, #tpu.memory_space<hbm>>) dst(%dma_wait3A_153 : memref<128xf32, #tpu.memory_space<vmem>>)
    %dma_wait3A_159 = arith.constant 2 : i32
    %dma_wait3A_160 = arith.constant 256 : i32
    %dma_wait3A_161 = tpu.memref_slice %arg8[%dma_wait3A_160] : memref<1536xf32, #tpu.memory_space<vmem>> -> memref<128xf32, #tpu.memory_space<vmem>>
    %dma_wait3A_162 = arith.constant 0 : i32
    %dma_wait3A_163 = tpu.memref_slice %arg7[%dma_wait3A_159, %dma_wait3A_162] : memref<4x128xi32, #tpu.memory_space<vmem>> -> memref<1x128xi32, #tpu.memory_space<vmem>>
    %dma_wait3A_164 = tpu.memref_squeeze %dma_wait3A_163 : memref<1x128xi32, #tpu.memory_space<vmem>> -> memref<128xi32, #tpu.memory_space<vmem>>
    %dma_wait3A_165 = arith.constant 0 : i32
    %dma_wait3A_166 = tpu.memref_slice %arg3[%dma_wait3A_165] : memref<100000xf32, #tpu.memory_space<hbm>> -> memref<100000xf32, #tpu.memory_space<hbm>>
    tpu.wait_indirect_dma semaphore(%arg11 : memref<!tpu.dma_semaphore, #tpu.memory_space<semaphore_mem>>) src(%dma_wait3A_166 : memref<100000xf32, #tpu.memory_space<hbm>>) dst(%dma_wait3A_161 : memref<128xf32, #tpu.memory_space<vmem>>)
    %dma_wait3A_167 = arith.constant 2 : i32
    %dma_wait3A_168 = arith.constant 768 : i32
    %dma_wait3A_169 = tpu.memref_slice %arg8[%dma_wait3A_168] : memref<1536xf32, #tpu.memory_space<vmem>> -> memref<128xf32, #tpu.memory_space<vmem>>
    %dma_wait3A_170 = arith.constant 0 : i32
    %dma_wait3A_171 = tpu.memref_slice %arg7[%dma_wait3A_167, %dma_wait3A_170] : memref<4x128xi32, #tpu.memory_space<vmem>> -> memref<1x128xi32, #tpu.memory_space<vmem>>
    %dma_wait3A_172 = tpu.memref_squeeze %dma_wait3A_171 : memref<1x128xi32, #tpu.memory_space<vmem>> -> memref<128xi32, #tpu.memory_space<vmem>>
    %dma_wait3A_173 = arith.constant 0 : i32
    %dma_wait3A_174 = tpu.memref_slice %arg4[%dma_wait3A_173] : memref<100000xf32, #tpu.memory_space<hbm>> -> memref<100000xf32, #tpu.memory_space<hbm>>
    tpu.wait_indirect_dma semaphore(%arg11 : memref<!tpu.dma_semaphore, #tpu.memory_space<semaphore_mem>>) src(%dma_wait3A_174 : memref<100000xf32, #tpu.memory_space<hbm>>) dst(%dma_wait3A_169 : memref<128xf32, #tpu.memory_space<vmem>>)
    %dma_wait3A_175 = arith.constant 2 : i32
    %dma_wait3A_176 = arith.constant 1280 : i32
    %dma_wait3A_177 = tpu.memref_slice %arg8[%dma_wait3A_176] : memref<1536xf32, #tpu.memory_space<vmem>> -> memref<128xf32, #tpu.memory_space<vmem>>
    %dma_wait3A_178 = arith.constant 0 : i32
    %dma_wait3A_179 = tpu.memref_slice %arg7[%dma_wait3A_175, %dma_wait3A_178] : memref<4x128xi32, #tpu.memory_space<vmem>> -> memref<1x128xi32, #tpu.memory_space<vmem>>
    %dma_wait3A_180 = tpu.memref_squeeze %dma_wait3A_179 : memref<1x128xi32, #tpu.memory_space<vmem>> -> memref<128xi32, #tpu.memory_space<vmem>>
    %dma_wait3A_181 = arith.constant 0 : i32
    %dma_wait3A_182 = tpu.memref_slice %arg5[%dma_wait3A_181] : memref<100000xf32, #tpu.memory_space<hbm>> -> memref<100000xf32, #tpu.memory_space<hbm>>
    tpu.wait_indirect_dma semaphore(%arg11 : memref<!tpu.dma_semaphore, #tpu.memory_space<semaphore_mem>>) src(%dma_wait3A_182 : memref<100000xf32, #tpu.memory_space<hbm>>) dst(%dma_wait3A_177 : memref<128xf32, #tpu.memory_space<vmem>>)
    %dma_wait3A_183 = arith.constant 3 : i32
    %dma_wait3A_184 = arith.constant 384 : i32
    %dma_wait3A_185 = tpu.memref_slice %arg8[%dma_wait3A_184] : memref<1536xf32, #tpu.memory_space<vmem>> -> memref<128xf32, #tpu.memory_space<vmem>>
    %dma_wait3A_186 = arith.constant 0 : i32
    %dma_wait3A_187 = tpu.memref_slice %arg7[%dma_wait3A_183, %dma_wait3A_186] : memref<4x128xi32, #tpu.memory_space<vmem>> -> memref<1x128xi32, #tpu.memory_space<vmem>>
    %dma_wait3A_188 = tpu.memref_squeeze %dma_wait3A_187 : memref<1x128xi32, #tpu.memory_space<vmem>> -> memref<128xi32, #tpu.memory_space<vmem>>
    %dma_wait3A_189 = arith.constant 0 : i32
    %dma_wait3A_190 = tpu.memref_slice %arg3[%dma_wait3A_189] : memref<100000xf32, #tpu.memory_space<hbm>> -> memref<100000xf32, #tpu.memory_space<hbm>>
    tpu.wait_indirect_dma semaphore(%arg12 : memref<!tpu.dma_semaphore, #tpu.memory_space<semaphore_mem>>) src(%dma_wait3A_190 : memref<100000xf32, #tpu.memory_space<hbm>>) dst(%dma_wait3A_185 : memref<128xf32, #tpu.memory_space<vmem>>)
    %dma_wait3A_191 = arith.constant 3 : i32
    %dma_wait3A_192 = arith.constant 896 : i32
    %dma_wait3A_193 = tpu.memref_slice %arg8[%dma_wait3A_192] : memref<1536xf32, #tpu.memory_space<vmem>> -> memref<128xf32, #tpu.memory_space<vmem>>
    %dma_wait3A_194 = arith.constant 0 : i32
    %dma_wait3A_195 = tpu.memref_slice %arg7[%dma_wait3A_191, %dma_wait3A_194] : memref<4x128xi32, #tpu.memory_space<vmem>> -> memref<1x128xi32, #tpu.memory_space<vmem>>
    %dma_wait3A_196 = tpu.memref_squeeze %dma_wait3A_195 : memref<1x128xi32, #tpu.memory_space<vmem>> -> memref<128xi32, #tpu.memory_space<vmem>>
    %dma_wait3A_197 = arith.constant 0 : i32
    %dma_wait3A_198 = tpu.memref_slice %arg4[%dma_wait3A_197] : memref<100000xf32, #tpu.memory_space<hbm>> -> memref<100000xf32, #tpu.memory_space<hbm>>
    tpu.wait_indirect_dma semaphore(%arg12 : memref<!tpu.dma_semaphore, #tpu.memory_space<semaphore_mem>>) src(%dma_wait3A_198 : memref<100000xf32, #tpu.memory_space<hbm>>) dst(%dma_wait3A_193 : memref<128xf32, #tpu.memory_space<vmem>>)
    %dma_wait3A_199 = arith.constant 3 : i32
    %dma_wait3A_200 = arith.constant 1408 : i32
    %dma_wait3A_201 = tpu.memref_slice %arg8[%dma_wait3A_200] : memref<1536xf32, #tpu.memory_space<vmem>> -> memref<128xf32, #tpu.memory_space<vmem>>
    %dma_wait3A_202 = arith.constant 0 : i32
    %dma_wait3A_203 = tpu.memref_slice %arg7[%dma_wait3A_199, %dma_wait3A_202] : memref<4x128xi32, #tpu.memory_space<vmem>> -> memref<1x128xi32, #tpu.memory_space<vmem>>
    %dma_wait3A_204 = tpu.memref_squeeze %dma_wait3A_203 : memref<1x128xi32, #tpu.memory_space<vmem>> -> memref<128xi32, #tpu.memory_space<vmem>>
    %dma_wait3A_205 = arith.constant 0 : i32
    %dma_wait3A_206 = tpu.memref_slice %arg5[%dma_wait3A_205] : memref<100000xf32, #tpu.memory_space<hbm>> -> memref<100000xf32, #tpu.memory_space<hbm>>
    tpu.wait_indirect_dma semaphore(%arg12 : memref<!tpu.dma_semaphore, #tpu.memory_space<semaphore_mem>>) src(%dma_wait3A_206 : memref<100000xf32, #tpu.memory_space<hbm>>) dst(%dma_wait3A_201 : memref<128xf32, #tpu.memory_space<vmem>>)
    %mul3A_207 = arith.constant 3 : i32
    %mul3A_208 = arith.muli %add3A, %mul3A_207 : i32
    %mul3A_209 = arith.constant 512 : i32
    %mul3A_210 = arith.muli %mul3A_208, %mul3A_209 : i32
    %dma_start3A_211 = tpu.memref_slice %arg6[%mul3A_210] : memref<49152xf32, #tpu.memory_space<hbm>> -> memref<1536xf32, #tpu.memory_space<hbm>>
    %dma_start3A_212 = tpu.memref_slice %arg6[%mul3A_210] : memref<49152xf32, #tpu.memory_space<hbm>> -> memref<1536xf32, #tpu.memory_space<hbm>>
    tpu.enqueue_dma source(%arg8 : memref<1536xf32, #tpu.memory_space<vmem>>) target(%dma_start3A_212 : memref<1536xf32, #tpu.memory_space<hbm>>) target_semaphore(%arg13 : memref<!tpu.dma_semaphore, #tpu.memory_space<semaphore_mem>>)
    %dma_wait3A_213 = tpu.memref_slice %arg6[%mul3A_210] : memref<49152xf32, #tpu.memory_space<hbm>> -> memref<1536xf32, #tpu.memory_space<hbm>>
    %dma_wait3A_214 = tpu.memref_slice %arg6[%mul3A_210] : memref<49152xf32, #tpu.memory_space<hbm>> -> memref<1536xf32, #tpu.memory_space<hbm>>
    tpu.wait_dma2 semaphore(%arg13 : memref<!tpu.dma_semaphore, #tpu.memory_space<semaphore_mem>>) src(%arg8 : memref<1536xf32, #tpu.memory_space<vmem>>) dst(%dma_wait3A_214 : memref<1536xf32, #tpu.memory_space<hbm>>)
    return
  }
}

</mosaic_0001>

<sc_bundles>
// kernel: kernel.4.cloned.1.call-start
scs
__scs_entry_jumppad:
0x0: {  	(pc) =	sbr.rel $0x88, $3  }
0x1: {  	(tag) =	ssettag $0x0;
	lr =	simm.s32 $0x1  }
0x2: {  	[smem:$0x3F9A] =	sst lr;
	_ =	strace $0xD0000000  }
0x3: {  	_ = 	snop  }
0x4: {  	_ = 	snop  }
0x5: {  	_ = 	snop  }
0x6: {  	_ = 	snop  }
0x7: {  	_ = 	snop  }
__scs_overlays_trampoline_lowered:
0x8: {  	[smem:$0x3FA9] =	sst s0  }
0x9: {  	[smem:$0x3FAA] =	sst s1  }
0xa: {  	[smem:$0x3FAB] =	sst s2  }
0xb: {  	[smem:$0x3FAC] =	sst s3  }
0xc: {  	[smem:$0x3FAD] =	sst s4  }
0xd: {  	[smem:$0x3FAE] =	sst s5  }
0xe: {  	[smem:$0x3FAF] =	sst s6  }
0xf: {  	[smem:$0x3FB0] =	sst s7  }
0x10: {  	[smem:$0x3FB1] =	sst s8  }
0x11: {  	[smem:$0x3FB2] =	sst s9;
	s0 =	simm.s32 @!p0 $0x0  }
0x12: {  	s1 =	sld [smem:$0x3F98];
	s0 =	simm.s32 @p0 $0x1  }
0x13: {  	[smem:$0x3FB3] =	sst s0;
	s0 =	simm.s32 @!p1 $0x0  }
0x14: {  	s2 =	sld [smem:$0x3F97];
	s0 =	simm.s32 @p1 $0x1  }
0x15: {  	[smem:$0x3FB4] =	sst s0;
	s0 =	simm.s32 @!p2 $0x0  }
0x16: {  	s3 =	sld [smem:$0x3FDB];
	s0 =	simm.s32 @p2 $0x1  }
0x17: {  	s4 =	simm.s32 $0x1BF5;
	[smem:$0x3FB6] =	sst s0  }
0x18: {  	s0 =	sld [smem:$0x3F99];
	_ =	swait.ge [sflag:s4], $0x0  }
0x19: {  	s7 =	sld [smem:$0x3F9A]  }
0x1a: {  	s8 =	sadd.s32 $0xFFFFE003, lr  }
0x1b: {  	s9 =	sadd.s32 $0xFFFFFEF7, lr;
	s5 =	simm.s32 $0xFFFFFFFF;
	p2 =	slt.u32 s8, $0xFFFFF086  }
0x1c: {  	p1 =	slt.u32 s9, $0xF7A;
	s5 =	simm.s32 @!p2 $0x0  }
0x1d: {  	s5 =	simm.s32 @p1 $0x1;
	p0 =	seq.s32 s7, s2  }
0x1e: {  	s7 =	smul.u32 @!p0 $0xF7A, s2;
	p2 =	seq.s32 @!p0 s5, $0x0  }
0x1f: {  	s9 =	smul.u32 $0xF7A, s1;
	s8 =	simm.s32 @!p0 $0x1BF5;
	p2 =	por !p2, p0  }
0x20: {  	[sflag:s8] =	ssyncset.s32 @!p0 $0xFFFFF086;
	s6 =	sadd.s32 @!p0 s3, s7;
	s7 =	simm.s32 @!p0 $0x108  }
0x21: {  	s3 =	sadd.s32 s3, s9;
	s6 =	sadd.s32 @!p0 $0x88, s6;
	s7 =	simm.s32 @p2 $0x1082  }
0x22: {  	[simem:s7], [sflag:s8] =	dma.local @!p0 [hbm:s6], $0xF7A  }
0x23: {  	s9 =	sor.u32 $0xD0000000, s2;
	s6 =	simm.s32 $0x108;
	_ =	swait.ge @!p0 [sflag:s8], $0x0  }
0x24: {  	s3 =	sadd.s32 $0x88, s3;
	s6 =	simm.s32 @!p1 $0x1082;
	[sflag:s4] =	ssyncset.s32 $0xFFFFF086  }
0x25: {  	[simem:s6], [sflag:s4] =	dma.local [hbm:s3], $0xF7A  }
0x26: {  	[smem:$0x3F9A] =	sst s1;
	(tag) =	ssettag s2;
	_ =	strace s9  }
0x27: {  	s1 =	sld [smem:$0x3FAA]  }
0x28: {  	s2 =	sld [smem:$0x3FAB]  }
0x29: {  	s4 =	sld [smem:$0x3FAD]  }
0x2a: {  	p0 =	seq.s32 s5, $0x0;
	s5 =	sld [smem:$0x3FAE]  }
0x2b: {  	s6 =	sld [smem:$0x3FAF]  }
0x2c: {  	s7 =	sld [smem:$0x3FB0]  }
0x2d: {  	s3 =	simm.s32 $0x108;
	s8 =	sld [smem:$0x3FB1]  }
0x2e: {  	s3 =	simm.s32 @!p0 $0x1082;
	s9 =	sld [smem:$0x3FB2]  }
0x2f: {  	lr =	sadd.s32 s0, s3;
	s0 =	sld [smem:$0x3FA9]  }
0x30: {  	s3 =	sld [smem:$0x3FAC]  }
0x31: {  	[smem:$0x3FB5] =	sst s10  }
0x32: {  	s10 =	sld [smem:$0x3FB3];
	_ =	sdelay $0x3  }
0x33: {  	p0 =	seq.s32 s10, $0x1;
	s10 =	sld [smem:$0x3FB5];
	_ =	sdelay $0x3  }
0x34: {  	[smem:$0x3FB5] =	sst s10  }
0x35: {  	s10 =	sld [smem:$0x3FB4];
	_ =	sdelay $0x3  }
0x36: {  	p1 =	seq.s32 s10, $0x1;
	s10 =	sld [smem:$0x3FB5];
	_ =	sdelay $0x3  }
0x37: {  	[smem:$0x3FB5] =	sst s10  }
0x38: {  	s10 =	sld [smem:$0x3FB6]  }
0x39: {  	_ = 	snop;
	(pc) =	sbr.ind lr, $3  }
0x3a: {  	_ = 	snop  }
0x3b: {  	_ = 	snop  }
0x3c: {  	p2 =	seq.s32 s10, $0x1;
	s10 =	sld [smem:$0x3FB5]  }
0x3d: {  	_ =	shalt  }
0x3e: {  	_ =	shalt  }
0x3f: {  	_ =	shalt  }
0x40: {  	_ =	shalt  }
0x41: {  	_ =	shalt  }
0x42: {  	_ =	shalt  }
0x43: {  	_ =	shalt  }
0x44: {  	_ =	shalt  }
0x45: {  	_ =	shalt  }
0x46: {  	_ =	shalt  }
0x47: {  	_ =	shalt  }
0x48: {  	_ =	shalt  }
0x49: {  	_ =	shalt  }
0x4a: {  	_ =	shalt  }
0x4b: {  	_ =	shalt  }
0x4c: {  	_ =	shalt  }
0x4d: {  	_ =	shalt  }
0x4e: {  	_ =	shalt  }
0x4f: {  	_ =	shalt  }
0x50: {  	_ =	shalt  }
0x51: {  	_ =	shalt  }
0x52: {  	_ =	shalt  }
0x53: {  	_ =	shalt  }
0x54: {  	_ =	shalt  }
0x55: {  	_ =	shalt  }
0x56: {  	_ =	shalt  }
0x57: {  	_ =	shalt  }
0x58: {  	_ =	shalt  }
0x59: {  	_ =	shalt  }
0x5a: {  	_ =	shalt  }
0x5b: {  	_ =	shalt  }
0x5c: {  	_ =	shalt  }
0x5d: {  	_ =	shalt  }
0x5e: {  	_ =	shalt  }
0x5f: {  	_ =	shalt  }
0x60: {  	_ =	shalt  }
0x61: {  	_ =	shalt  }
0x62: {  	_ =	shalt  }
0x63: {  	_ =	shalt  }
0x64: {  	_ =	shalt  }
0x65: {  	_ =	shalt  }
0x66: {  	_ =	shalt  }
0x67: {  	_ =	shalt  }
0x68: {  	_ =	shalt  }
0x69: {  	_ =	shalt  }
0x6a: {  	_ =	shalt  }
0x6b: {  	_ =	shalt  }
0x6c: {  	_ =	shalt  }
0x6d: {  	_ =	shalt  }
0x6e: {  	_ =	shalt  }
0x6f: {  	_ =	shalt  }
0x70: {  	_ =	shalt  }
0x71: {  	_ =	shalt  }
0x72: {  	_ =	shalt  }
0x73: {  	_ =	shalt  }
0x74: {  	_ =	shalt  }
0x75: {  	_ =	shalt  }
0x76: {  	_ =	shalt  }
0x77: {  	_ =	shalt  }
0x78: {  	_ =	shalt  }
0x79: {  	_ =	shalt  }
0x7a: {  	_ =	shalt  }
0x7b: {  	_ =	shalt  }
0x7c: {  	_ =	shalt  }
0x7d: {  	_ =	shalt  }
0x7e: {  	_ =	shalt  }
0x7f: {  	_ =	shalt  }
0x80: {  	_ =	shalt  }
0x81: {  	_ =	shalt  }
0x82: {  	_ =	shalt  }
0x83: {  	_ =	shalt  }
0x84: {  	_ =	shalt  }
0x85: {  	_ =	shalt  }
0x86: {  	_ =	shalt  }
0x87: {  	_ =	shalt  }
.Lfunc_end0:
.L_simem_size_0:
called_computation_lowered:
.L_overlay_start_0:
0x88: {  	s2 =	sld [smem:$0x3FD9]  }
0x89: {  	s3 =	sld [smem:$0x3FFE];
	_ =	sdelay $0x1  }
0x8a: {  	s1 =	srdreg.scid  }
0x8b: {  	s0 =	sand.u32 $0x1, s1  }
0x8c: {  	s17 =	sshll.u32 s0, $0xA;
	s2 =	sadd.s32 s3, s2  }
0x8d: {  	s2 =	sadd.s32 s2, s17  }
0x8e: {  	[smem:$0x3FC1] =	sst s2  }
0x8f: {  	_ = 	snop  }
0x90: {  	s2 =	sld [smem:$0x3FC8];
	(tm) =	ssettm $0x1  }
0x91: {  	s18 =	sld [smem:$0x3FFB];
	_ =	sdelay $0x3  }
0x92: {  	_ =	strace s18  }
0x93: {  	s3 =	sld [smem:$0x3FFC];
	_ =	sdelay $0x3  }
0x94: {  	_ =	strace s3  }
0x95: {  	s3 =	sld [smem:$0x3FFD];
	_ =	sdelay $0x3  }
0x96: {  	_ =	strace s3  }
0x97: {  	_ =	strace $0x8FFFFFFF  }
0x98: {  	s19 =	sld [smem:$0x3FDB];
	_ =	sdelay $0x1  }
0x99: {  	s4 =	simm.s32 $_scs_section_size  }
0x9a: {  	s5 =	simm.s32 $_size__tile_overlayer_lowered;
	s6 =	simm.s32 $_tile_overlayer_lowered  }
0x9b: {  	s22 =	simm.s32 $0x1BFF;
	s21 =	sshll.u32 s6, $0x1;
	s3 =	sadd.s32 s4, s19  }
0x9c: {  	s7 =	simm.s32 $0x0;
	s20 =	sshll.u32 s5, $0x1;
	s5 =	sadd.s32 s21, s3  }
0x9d: {  	[timem:s7], [sflag:s22] =	dma.local [hbm:s5], s20  }
0x9e: {  	_ =	swait.ge [sflag:s22], s20  }
0x9f: {  	s4 =	ssub.s32 $0x0, s20;
	[sflag:s22] =	ssyncset.done $0x0  }
0xa0: {  	[sflag:s22] =	ssyncadd.s32 s4;
	_ =	sdelay $0x1  }
0xa1: {  	s23 =	simm.s32 $0x1B8B  }
0xa2: {  	_ =	swait.ge [sflag:s23], $0x1  }
0xa3: {  	[sflag:s23] =	ssyncset.done $0x0  }
0xa4: {  	s25 =	simm.s32 $0x1B8E;
	s24 =	sld [smem:$0x3FFE];
	[sflag:s23] =	ssyncadd.s32 $0xFFFFFFFF  }
0xa5: {  	s26 =	simm.s32 $execute0_lowered;
	[smem:$0x3FD2] =	sst s25  }
0xa6: {  	s5 =	sshll.u32 s26, $0x1;
	_ =	strace $0x80000046;
	[dreg:$0x1] =	wrdreg $0xFFFFFFFF  }
0xa7: {  	s28 =	simm.s32 $_size_execute0_lowered;
	s3 =	sadd.s32 s3, s5;
	[dreg:$0x0] =	wrdreg $0x0  }
0xa8: {  	s5 =	sshll.u32 s28, $0x1;
	[dreg:$0x2] =	wrdreg s3  }
0xa9: {  	[dreg:$0x3] =	wrdreg s5  }
0xaa: {  	[dreg:$0x4] =	wrdreg $0xC0  }
0xab: {  	_ =	task [dreg:s7], $0x5FFFF  }
0xac: {  	[dreg:$0x1] =	wrdreg $0xFFFFFFFF  }
0xad: {  	[dreg:$0x0] =	wrdreg $0x60  }
0xae: {  	[dreg:$0x2] =	wrdreg s2  }
0xaf: {  	[dreg:$0x3] =	wrdreg s24  }
0xb0: {  	[dreg:$0x4] =	wrdreg $0x9  }
0xb1: {  	_ =	task.clear_ibuf [dreg:s7], $0x5FFFF;
	_ =	strace $0x90000046  }
0xb2: {  	s29 =	simm.s32 $0x9;
	_ =	strace $0x80000048  }
0xb3: {  	_ =	swait.ge [sflag:s29], $0x1  }
0xb4: {  	[sflag:s29] =	ssyncadd.s32 $0xFFFFFFFF  }
0xb5: {  	_ =	strace $0x90000048  }
0xb6: {  	_ =	sfence  }
0xb7: {  	s30 =	sld [smem:$0x0];
	_ =	sdelay $0x2  }
0xb8: {  	s31 =	sshll.u32 s1, $0xD;
	s1 =	sshrl.u32 s1, $0x2  }
0xb9: {  	s3 =	sand.u32 $0x4000, s31;
	s1 =	sadd.s32 s1, s30  }
0xba: {  	s0 =	sor.u32 s3, s0;
	s1 =	sshll.u32 s1, $0x11  }
0xbb: {  	s0 =	sor.u32 s1, s0  }
0xbc: {  	s0 =	sadd.s32 $0x8F2B, s0  }
0xbd: {  	[sflag:s0] =	ssyncadd.remote.s32 $0x1  }
0xbe: {  	_ =	sfence.sel $0xFFFF  }
0xbf: {  	[dreg:$0x0] =	wrdreg $0xFFFFFFFF;
	(pc) =	sbr.abs _section_cstart, $3  }
0xc0: {  	[dreg:$0x1] =	wrdreg $0xFFFFFFFF  }
0xc1: {  	_ =	task.clear_ibuf [dreg:s7], $0x2FFFF;
	_ =	strace $0x9FFFFFFF  }
0xc2: {  	(tm) =	ssettm $0x7FFFFFFF  }
0xc3: {  	_ =	shalt  }
tec
execute0_lowered:
.L_overlay_start_1:
0x0: {  	(tag) =	ssettag $0x1  }
0x1: {  	s4 =	rddreg [dreg:$0x0]  }
0x2: {  	s1 =	srdreg.scid;
	s0 =	stileid.u32  }
0x3: {  	s2 =	rddreg [dreg:$0x1];
	s26 =	sand.u32 $0x1, s1;
	s5 =	sshll.u32 s0, $0x1  }
0x4: {  	s3 =	simm.s32 $0x0;
	s1 =	rddreg [dreg:$0x2];
	s28 =	sor.u32 s26, s5  }
0x5: {  	[smem:$0x7FF] =	sst s3;
	s5 =	sshll.u32 s28, $0x6  }
0x6: {  	_ =	strace $0x80000047;
	s4 =	sadd.s32 s4, s5;
	s5 =	simm.s32 $0x1  }
0x7: {  	[tilespmem:s3], [sflag:$0x1] =	stream.linear.gather [hbm4b:s4+s3], $0x200, $0x38;
	[tilespmem:$0x800] =	vst v63  }
0x8: {  	_ =	swait.ge [sflag:s5], $0x200  }
0x9: {  	[sflag:s5] =	ssyncset.done $0x0  }
0xa: {  	s6 =	simm.s32 $0x80;
	s7 =	simm.s32 $0x200;
	[sflag:s5] =	ssyncadd.s32 $0xFFFFFE00  }
0xb: {  	[tilespmem:s7], [sflag:$0x1] =	stream.indirect.gather [hbm4b:s2+s6], $0x1, s3, s6, $0xb8;
	[tilespmem:$0x800] =	vst v63  }
0xc: {  	s9 =	simm.s32 $0x400;
	s8 =	sadd.s32 $0x3200, s2  }
0xd: {  	[tilespmem:s9], [sflag:$0x1] =	stream.indirect.gather [hbm4b:s8+s6], $0x1, s3, s6, $0xb8;
	[tilespmem:$0x800] =	vst v63  }
0xe: {  	s11 =	simm.s32 $0x600;
	s10 =	sadd.s32 $0x6400, s2  }
0xf: {  	[tilespmem:s11], [sflag:$0x1] =	stream.indirect.gather [hbm4b:s10+s6], $0x1, s3, s6, $0xb8;
	[tilespmem:$0x800] =	vst v63  }
0x10: {  	s12 =	simm.s32 $0x280  }
0x11: {  	[tilespmem:s12], [sflag:$0x2] =	stream.indirect.gather [hbm4b:s2+s6], $0x1, s6, s6, $0xb8;
	[tilespmem:$0x800] =	vst v63  }
0x12: {  	s13 =	simm.s32 $0x480  }
0x13: {  	[tilespmem:s13], [sflag:$0x2] =	stream.indirect.gather [hbm4b:s8+s6], $0x1, s6, s6, $0xb8;
	[tilespmem:$0x800] =	vst v63  }
0x14: {  	s14 =	simm.s32 $0x680  }
0x15: {  	[tilespmem:s14], [sflag:$0x2] =	stream.indirect.gather [hbm4b:s10+s6], $0x1, s6, s6, $0xb8;
	[tilespmem:$0x800] =	vst v63  }
0x16: {  	s15 =	simm.s32 $0x100;
	s16 =	simm.s32 $0x300  }
0x17: {  	[tilespmem:s16], [sflag:$0x3] =	stream.indirect.gather [hbm4b:s2+s6], $0x1, s15, s6, $0xb8;
	[tilespmem:$0x800] =	vst v63  }
0x18: {  	s17 =	simm.s32 $0x500  }
0x19: {  	[tilespmem:s17], [sflag:$0x3] =	stream.indirect.gather [hbm4b:s8+s6], $0x1, s15, s6, $0xb8;
	[tilespmem:$0x800] =	vst v63  }
0x1a: {  	s18 =	simm.s32 $0x700  }
0x1b: {  	[tilespmem:s18], [sflag:$0x3] =	stream.indirect.gather [hbm4b:s10+s6], $0x1, s15, s6, $0xb8;
	[tilespmem:$0x800] =	vst v63  }
0x1c: {  	s19 =	simm.s32 $0x180;
	s20 =	simm.s32 $0x380  }
0x1d: {  	[tilespmem:s20], [sflag:$0x4] =	stream.indirect.gather [hbm4b:s2+s6], $0x1, s19, s6, $0xb8;
	[tilespmem:$0x800] =	vst v63  }
0x1e: {  	s21 =	simm.s32 $0x580  }
0x1f: {  	[tilespmem:s21], [sflag:$0x4] =	stream.indirect.gather [hbm4b:s8+s6], $0x1, s19, s6, $0xb8;
	[tilespmem:$0x800] =	vst v63  }
0x20: {  	s22 =	simm.s32 $0x780  }
0x21: {  	[tilespmem:s22], [sflag:$0x4] =	stream.indirect.gather [hbm4b:s10+s6], $0x1, s19, s6, $0xb8;
	[tilespmem:$0x800] =	vst v63  }
0x22: {  	_ =	swait.ge [sflag:s5], $0x80  }
0x23: {  	[sflag:s5] =	ssyncset.done $0x0  }
0x24: {  	[sflag:s5] =	ssyncadd.s32 $0xFFFFFF80  }
0x25: {  	_ =	swait.ge [sflag:s5], $0x80  }
0x26: {  	[sflag:s5] =	ssyncset.done $0x0  }
0x27: {  	[sflag:s5] =	ssyncadd.s32 $0xFFFFFF80  }
0x28: {  	_ =	swait.ge [sflag:s5], $0x80  }
0x29: {  	[sflag:s5] =	ssyncset.done $0x0  }
0x2a: {  	s23 =	simm.s32 $0x2;
	[sflag:s5] =	ssyncadd.s32 $0xFFFFFF80  }
0x2b: {  	_ =	swait.ge [sflag:s23], $0x80  }
0x2c: {  	[sflag:s23] =	ssyncset.done $0x0  }
0x2d: {  	[sflag:s23] =	ssyncadd.s32 $0xFFFFFF80  }
0x2e: {  	_ =	swait.ge [sflag:s23], $0x80  }
0x2f: {  	[sflag:s23] =	ssyncset.done $0x0  }
0x30: {  	[sflag:s23] =	ssyncadd.s32 $0xFFFFFF80  }
0x31: {  	_ =	swait.ge [sflag:s23], $0x80  }
0x32: {  	[sflag:s23] =	ssyncset.done $0x0  }
0x33: {  	s24 =	simm.s32 $0x3;
	[sflag:s23] =	ssyncadd.s32 $0xFFFFFF80  }
0x34: {  	_ =	swait.ge [sflag:s24], $0x80  }
0x35: {  	[sflag:s24] =	ssyncset.done $0x0  }
0x36: {  	[sflag:s24] =	ssyncadd.s32 $0xFFFFFF80  }
0x37: {  	_ =	swait.ge [sflag:s24], $0x80  }
0x38: {  	[sflag:s24] =	ssyncset.done $0x0  }
0x39: {  	[sflag:s24] =	ssyncadd.s32 $0xFFFFFF80  }
0x3a: {  	_ =	swait.ge [sflag:s24], $0x80  }
0x3b: {  	[sflag:s24] =	ssyncset.done $0x0  }
0x3c: {  	s25 =	simm.s32 $0x4;
	[sflag:s24] =	ssyncadd.s32 $0xFFFFFF80  }
0x3d: {  	_ =	swait.ge [sflag:s25], $0x80  }
0x3e: {  	[sflag:s25] =	ssyncset.done $0x0  }
0x3f: {  	s26 =	ssub.s32 $0x2, s26;
	[sflag:s25] =	ssyncadd.s32 $0xFFFFFF80  }
0x40: {  	s29 =	sshrl.u32 s26, $0x1;
	_ =	swait.ge [sflag:s25], $0x80  }
0x41: {  	s29 =	ssub.s32 s26, s29;
	[sflag:s25] =	ssyncset.done $0x0  }
0x42: {  	s28 =	smul.u32 $0xC0, s28;
	s29 =	smax.u32 s29, $0x1;
	[sflag:s25] =	ssyncadd.s32 $0xFFFFFF80  }
0x43: {  	p0 =	sne.s32 s29, $0x1;
	_ =	swait.ge [sflag:s25], $0x80  }
.Ltmp0:
0x44: {  	s28 =	sadd.s32 s28, s2;
	[sflag:s25] =	ssyncset.done $0x0;
	(pc) =	sbr.rel @!p0 .LBB2_2-.Ltmp0, $4  }
0x45: {  	s26 =	sadd.s32 $0x9600, s28;
	s28 =	simm.s32 $0x5;
	[sflag:s25] =	ssyncadd.s32 $0xFFFFFF80  }
0x46: {  	[hbm4b:s26+s3] =	stream.linear.scatter [tilespmem:s7], [sflag:$0x5], $0x600, $0x38;
	[tilespmem:$0x800] =	vst v63  }
0x47: {  	_ =	swait.ge [sflag:s28], $0x600  }
0x48: {  	s29 =	sadd.s32 $0xFFFFFFFF, s29;
	[sflag:s28] =	ssyncset.done $0x0  }
.LBB2_1:
0x49: {  	p0 =	sne.s32 s29, $0x1;
	s29 =	sadd.s32 $0xFFFFFFFF, s29;
	[sflag:s28] =	ssyncadd.s32 $0xFFFFFA00  }
0x4a: {  	[tilespmem:s3], [sflag:$0x1] =	stream.linear.gather [hbm4b:s4+s3], $0x200, $0x38;
	[tilespmem:$0x800] =	vst v63  }
0x4b: {  	_ =	swait.ge [sflag:s5], $0x200  }
0x4c: {  	[sflag:s5] =	ssyncset.done $0x0  }
0x4d: {  	[sflag:s5] =	ssyncadd.s32 $0xFFFFFE00  }
0x4e: {  	[tilespmem:s7], [sflag:$0x1] =	stream.indirect.gather [hbm4b:s2+s6], $0x1, s3, s6, $0xb8;
	[tilespmem:$0x800] =	vst v63  }
0x4f: {  	_ = 	snop  }
0x50: {  	[tilespmem:s9], [sflag:$0x1] =	stream.indirect.gather [hbm4b:s8+s6], $0x1, s3, s6, $0xb8;
	[tilespmem:$0x800] =	vst v63  }
0x51: {  	_ = 	snop  }
0x52: {  	[tilespmem:s11], [sflag:$0x1] =	stream.indirect.gather [hbm4b:s10+s6], $0x1, s3, s6, $0xb8;
	[tilespmem:$0x800] =	vst v63  }
0x53: {  	_ = 	snop  }
0x54: {  	[tilespmem:s12], [sflag:$0x2] =	stream.indirect.gather [hbm4b:s2+s6], $0x1, s6, s6, $0xb8;
	[tilespmem:$0x800] =	vst v63  }
0x55: {  	_ = 	snop  }
0x56: {  	[tilespmem:s13], [sflag:$0x2] =	stream.indirect.gather [hbm4b:s8+s6], $0x1, s6, s6, $0xb8;
	[tilespmem:$0x800] =	vst v63  }
0x57: {  	_ = 	snop  }
0x58: {  	[tilespmem:s14], [sflag:$0x2] =	stream.indirect.gather [hbm4b:s10+s6], $0x1, s6, s6, $0xb8;
	[tilespmem:$0x800] =	vst v63  }
0x59: {  	_ = 	snop  }
0x5a: {  	[tilespmem:s16], [sflag:$0x3] =	stream.indirect.gather [hbm4b:s2+s6], $0x1, s15, s6, $0xb8;
	[tilespmem:$0x800] =	vst v63  }
0x5b: {  	_ = 	snop  }
0x5c: {  	[tilespmem:s17], [sflag:$0x3] =	stream.indirect.gather [hbm4b:s8+s6], $0x1, s15, s6, $0xb8;
	[tilespmem:$0x800] =	vst v63  }
0x5d: {  	_ = 	snop  }
0x5e: {  	[tilespmem:s18], [sflag:$0x3] =	stream.indirect.gather [hbm4b:s10+s6], $0x1, s15, s6, $0xb8;
	[tilespmem:$0x800] =	vst v63  }
0x5f: {  	_ = 	snop  }
0x60: {  	[tilespmem:s20], [sflag:$0x4] =	stream.indirect.gather [hbm4b:s2+s6], $0x1, s19, s6, $0xb8;
	[tilespmem:$0x800] =	vst v63  }
0x61: {  	_ = 	snop  }
0x62: {  	[tilespmem:s21], [sflag:$0x4] =	stream.indirect.gather [hbm4b:s8+s6], $0x1, s19, s6, $0xb8;
	[tilespmem:$0x800] =	vst v63  }
0x63: {  	_ = 	snop  }
0x64: {  	[tilespmem:s22], [sflag:$0x4] =	stream.indirect.gather [hbm4b:s10+s6], $0x1, s19, s6, $0xb8;
	[tilespmem:$0x800] =	vst v63  }
0x65: {  	_ =	swait.ge [sflag:s5], $0x80  }
0x66: {  	[sflag:s5] =	ssyncset.done $0x0  }
0x67: {  	[sflag:s5] =	ssyncadd.s32 $0xFFFFFF80  }
0x68: {  	_ =	swait.ge [sflag:s5], $0x80  }
0x69: {  	[sflag:s5] =	ssyncset.done $0x0  }
0x6a: {  	[sflag:s5] =	ssyncadd.s32 $0xFFFFFF80  }
0x6b: {  	_ =	swait.ge [sflag:s5], $0x80  }
0x6c: {  	[sflag:s5] =	ssyncset.done $0x0  }
0x6d: {  	[sflag:s5] =	ssyncadd.s32 $0xFFFFFF80  }
0x6e: {  	_ =	swait.ge [sflag:s23], $0x80  }
0x6f: {  	[sflag:s23] =	ssyncset.done $0x0  }
0x70: {  	[sflag:s23] =	ssyncadd.s32 $0xFFFFFF80  }
0x71: {  	_ =	swait.ge [sflag:s23], $0x80  }
0x72: {  	[sflag:s23] =	ssyncset.done $0x0  }
0x73: {  	[sflag:s23] =	ssyncadd.s32 $0xFFFFFF80  }
0x74: {  	_ =	swait.ge [sflag:s23], $0x80  }
0x75: {  	[sflag:s23] =	ssyncset.done $0x0  }
0x76: {  	[sflag:s23] =	ssyncadd.s32 $0xFFFFFF80  }
0x77: {  	_ =	swait.ge [sflag:s24], $0x80  }
0x78: {  	[sflag:s24] =	ssyncset.done $0x0  }
0x79: {  	[sflag:s24] =	ssyncadd.s32 $0xFFFFFF80  }
0x7a: {  	_ =	swait.ge [sflag:s24], $0x80  }
0x7b: {  	[sflag:s24] =	ssyncset.done $0x0  }
0x7c: {  	[sflag:s24] =	ssyncadd.s32 $0xFFFFFF80  }
0x7d: {  	_ =	swait.ge [sflag:s24], $0x80  }
0x7e: {  	[sflag:s24] =	ssyncset.done $0x0  }
0x7f: {  	[sflag:s24] =	ssyncadd.s32 $0xFFFFFF80  }
0x80: {  	_ =	swait.ge [sflag:s25], $0x80  }
0x81: {  	[sflag:s25] =	ssyncset.done $0x0  }
0x82: {  	[sflag:s25] =	ssyncadd.s32 $0xFFFFFF80  }
0x83: {  	_ =	swait.ge [sflag:s25], $0x80  }
0x84: {  	[sflag:s25] =	ssyncset.done $0x0  }
0x85: {  	[sflag:s25] =	ssyncadd.s32 $0xFFFFFF80  }
0x86: {  	_ =	swait.ge [sflag:s25], $0x80  }
.Ltmp1:
0x87: {  	[sflag:s25] =	ssyncset.done $0x0;
	(pc) =	sbr.rel @p0 .LBB2_1-.Ltmp1, $4  }
0x88: {  	[sflag:s25] =	ssyncadd.s32 $0xFFFFFF80  }
0x89: {  	[hbm4b:s26+s3] =	stream.linear.scatter [tilespmem:s7], [sflag:$0x5], $0x600, $0x38;
	[tilespmem:$0x800] =	vst v63  }
0x8a: {  	_ =	swait.ge [sflag:s28], $0x600  }
0x8b: {  	[sflag:s28] =	ssyncset.done $0x0  }
.LBB2_2:
0x8c: {  	[sflag:s28] =	ssyncadd.s32 $0xFFFFFA00  }
0x8d: {  	_ =	sfence.sel $0x180000  }
0x8e: {  	[bflag:$0x0] =	sbarrier.arrive $0xFFFF  }
0x8f: {  	p0 =	sne.s32 s0, $0x0;
	_ =	strace $0x90000047  }
0x90: {  	s0 =	sadd.s32 @!p0 $0x100000, s1;
	[bflag:$0x2] =	sbarrier.arrive $0xFFFF  }
0x91: {  	[sflag:s0] =	ssyncadd.tile.s32 @!p0 $0x1;
	_ =	shalt  }
.Lfunc_end2:
_tile_overlayer_lowered:
.L_overlay_start_2:
0x92: {  	(tag) =	ssettag $0x2  }
0x93: {  	s0 =	rddreg [dreg:$0x0];
	s2 =	stileid.u32  }
0x94: {  	s1 =	rddreg [dreg:$0x1];
	p0 =	sne.s32 s2, $0x0  }
0x95: {  	s3 =	rddreg [dreg:$0x2];
	[bflag:$0x3] =	sbarrier.arrive $0xFFFF;
	s2 =	simm.s32 @!p0 $0x1C06  }
0x96: {  	[timem:s3], [sflag:s2] =	dma.local @!p0 [hbm:s0], s1  }
0x97: {  	s0 =	simm.s32 @!p0 $0x6  }
0x98: {  	_ =	swait.ge @!p0 [sflag:s0], s1  }
0x99: {  	s1 =	ssub.s32 @!p0 $0x0, s1;
	[sflag:s0] =	ssyncset.done @!p0 $0x0  }
0x9a: {  	[sflag:s0] =	ssyncadd.s32 @!p0 s1  }
0x9b: {  	[bflag:$0x3] =	sbarrier.arrive $0xFFFF  }
0x9c: {  	_ =	shalt  }

// kernel: kernel.7.cloned.1.call-start
scs
__scs_entry_jumppad:
0x0: {  	(pc) =	sbr.rel $0x88, $3  }
0x1: {  	(tag) =	ssettag $0x0;
	lr =	simm.s32 $0x1  }
0x2: {  	[smem:$0x3F9A] =	sst lr;
	_ =	strace $0xD0000000  }
0x3: {  	_ = 	snop  }
0x4: {  	_ = 	snop  }
0x5: {  	_ = 	snop  }
0x6: {  	_ = 	snop  }
0x7: {  	_ = 	snop  }
__scs_overlays_trampoline_lowered:
0x8: {  	[smem:$0x3FA9] =	sst s0  }
0x9: {  	[smem:$0x3FAA] =	sst s1  }
0xa: {  	[smem:$0x3FAB] =	sst s2  }
0xb: {  	[smem:$0x3FAC] =	sst s3  }
0xc: {  	[smem:$0x3FAD] =	sst s4  }
0xd: {  	[smem:$0x3FAE] =	sst s5  }
0xe: {  	[smem:$0x3FAF] =	sst s6  }
0xf: {  	[smem:$0x3FB0] =	sst s7  }
0x10: {  	[smem:$0x3FB1] =	sst s8  }
0x11: {  	[smem:$0x3FB2] =	sst s9;
	s0 =	simm.s32 @!p0 $0x0  }
0x12: {  	s1 =	sld [smem:$0x3F98];
	s0 =	simm.s32 @p0 $0x1  }
0x13: {  	[smem:$0x3FB3] =	sst s0;
	s0 =	simm.s32 @!p1 $0x0  }
0x14: {  	s2 =	sld [smem:$0x3F97];
	s0 =	simm.s32 @p1 $0x1  }
0x15: {  	[smem:$0x3FB4] =	sst s0;
	s0 =	simm.s32 @!p2 $0x0  }
0x16: {  	s3 =	sld [smem:$0x3FDB];
	s0 =	simm.s32 @p2 $0x1  }
0x17: {  	s4 =	simm.s32 $0x1BF5;
	[smem:$0x3FB6] =	sst s0  }
0x18: {  	s0 =	sld [smem:$0x3F99];
	_ =	swait.ge [sflag:s4], $0x0  }
0x19: {  	s7 =	sld [smem:$0x3F9A]  }
0x1a: {  	s8 =	sadd.s32 $0xFFFFE003, lr  }
0x1b: {  	s9 =	sadd.s32 $0xFFFFFEF7, lr;
	s5 =	simm.s32 $0xFFFFFFFF;
	p2 =	slt.u32 s8, $0xFFFFF086  }
0x1c: {  	p1 =	slt.u32 s9, $0xF7A;
	s5 =	simm.s32 @!p2 $0x0  }
0x1d: {  	s5 =	simm.s32 @p1 $0x1;
	p0 =	seq.s32 s7, s2  }
0x1e: {  	s7 =	smul.u32 @!p0 $0xF7A, s2;
	p2 =	seq.s32 @!p0 s5, $0x0  }
0x1f: {  	s9 =	smul.u32 $0xF7A, s1;
	s8 =	simm.s32 @!p0 $0x1BF5;
	p2 =	por !p2, p0  }
0x20: {  	[sflag:s8] =	ssyncset.s32 @!p0 $0xFFFFF086;
	s6 =	sadd.s32 @!p0 s3, s7;
	s7 =	simm.s32 @!p0 $0x108  }
0x21: {  	s3 =	sadd.s32 s3, s9;
	s6 =	sadd.s32 @!p0 $0x88, s6;
	s7 =	simm.s32 @p2 $0x1082  }
0x22: {  	[simem:s7], [sflag:s8] =	dma.local @!p0 [hbm:s6], $0xF7A  }
0x23: {  	s9 =	sor.u32 $0xD0000000, s2;
	s6 =	simm.s32 $0x108;
	_ =	swait.ge @!p0 [sflag:s8], $0x0  }
0x24: {  	s3 =	sadd.s32 $0x88, s3;
	s6 =	simm.s32 @!p1 $0x1082;
	[sflag:s4] =	ssyncset.s32 $0xFFFFF086  }
0x25: {  	[simem:s6], [sflag:s4] =	dma.local [hbm:s3], $0xF7A  }
0x26: {  	[smem:$0x3F9A] =	sst s1;
	(tag) =	ssettag s2;
	_ =	strace s9  }
0x27: {  	s1 =	sld [smem:$0x3FAA]  }
0x28: {  	s2 =	sld [smem:$0x3FAB]  }
0x29: {  	s4 =	sld [smem:$0x3FAD]  }
0x2a: {  	p0 =	seq.s32 s5, $0x0;
	s5 =	sld [smem:$0x3FAE]  }
0x2b: {  	s6 =	sld [smem:$0x3FAF]  }
0x2c: {  	s7 =	sld [smem:$0x3FB0]  }
0x2d: {  	s3 =	simm.s32 $0x108;
	s8 =	sld [smem:$0x3FB1]  }
0x2e: {  	s3 =	simm.s32 @!p0 $0x1082;
	s9 =	sld [smem:$0x3FB2]  }
0x2f: {  	lr =	sadd.s32 s0, s3;
	s0 =	sld [smem:$0x3FA9]  }
0x30: {  	s3 =	sld [smem:$0x3FAC]  }
0x31: {  	[smem:$0x3FB5] =	sst s10  }
0x32: {  	s10 =	sld [smem:$0x3FB3];
	_ =	sdelay $0x3  }
0x33: {  	p0 =	seq.s32 s10, $0x1;
	s10 =	sld [smem:$0x3FB5];
	_ =	sdelay $0x3  }
0x34: {  	[smem:$0x3FB5] =	sst s10  }
0x35: {  	s10 =	sld [smem:$0x3FB4];
	_ =	sdelay $0x3  }
0x36: {  	p1 =	seq.s32 s10, $0x1;
	s10 =	sld [smem:$0x3FB5];
	_ =	sdelay $0x3  }
0x37: {  	[smem:$0x3FB5] =	sst s10  }
0x38: {  	s10 =	sld [smem:$0x3FB6]  }
0x39: {  	_ = 	snop;
	(pc) =	sbr.ind lr, $3  }
0x3a: {  	_ = 	snop  }
0x3b: {  	_ = 	snop  }
0x3c: {  	p2 =	seq.s32 s10, $0x1;
	s10 =	sld [smem:$0x3FB5]  }
0x3d: {  	_ =	shalt  }
0x3e: {  	_ =	shalt  }
0x3f: {  	_ =	shalt  }
0x40: {  	_ =	shalt  }
0x41: {  	_ =	shalt  }
0x42: {  	_ =	shalt  }
0x43: {  	_ =	shalt  }
0x44: {  	_ =	shalt  }
0x45: {  	_ =	shalt  }
0x46: {  	_ =	shalt  }
0x47: {  	_ =	shalt  }
0x48: {  	_ =	shalt  }
0x49: {  	_ =	shalt  }
0x4a: {  	_ =	shalt  }
0x4b: {  	_ =	shalt  }
0x4c: {  	_ =	shalt  }
0x4d: {  	_ =	shalt  }
0x4e: {  	_ =	shalt  }
0x4f: {  	_ =	shalt  }
0x50: {  	_ =	shalt  }
0x51: {  	_ =	shalt  }
0x52: {  	_ =	shalt  }
0x53: {  	_ =	shalt  }
0x54: {  	_ =	shalt  }
0x55: {  	_ =	shalt  }
0x56: {  	_ =	shalt  }
0x57: {  	_ =	shalt  }
0x58: {  	_ =	shalt  }
0x59: {  	_ =	shalt  }
0x5a: {  	_ =	shalt  }
0x5b: {  	_ =	shalt  }
0x5c: {  	_ =	shalt  }
0x5d: {  	_ =	shalt  }
0x5e: {  	_ =	shalt  }
0x5f: {  	_ =	shalt  }
0x60: {  	_ =	shalt  }
0x61: {  	_ =	shalt  }
0x62: {  	_ =	shalt  }
0x63: {  	_ =	shalt  }
0x64: {  	_ =	shalt  }
0x65: {  	_ =	shalt  }
0x66: {  	_ =	shalt  }
0x67: {  	_ =	shalt  }
0x68: {  	_ =	shalt  }
0x69: {  	_ =	shalt  }
0x6a: {  	_ =	shalt  }
0x6b: {  	_ =	shalt  }
0x6c: {  	_ =	shalt  }
0x6d: {  	_ =	shalt  }
0x6e: {  	_ =	shalt  }
0x6f: {  	_ =	shalt  }
0x70: {  	_ =	shalt  }
0x71: {  	_ =	shalt  }
0x72: {  	_ =	shalt  }
0x73: {  	_ =	shalt  }
0x74: {  	_ =	shalt  }
0x75: {  	_ =	shalt  }
0x76: {  	_ =	shalt  }
0x77: {  	_ =	shalt  }
0x78: {  	_ =	shalt  }
0x79: {  	_ =	shalt  }
0x7a: {  	_ =	shalt  }
0x7b: {  	_ =	shalt  }
0x7c: {  	_ =	shalt  }
0x7d: {  	_ =	shalt  }
0x7e: {  	_ =	shalt  }
0x7f: {  	_ =	shalt  }
0x80: {  	_ =	shalt  }
0x81: {  	_ =	shalt  }
0x82: {  	_ =	shalt  }
0x83: {  	_ =	shalt  }
0x84: {  	_ =	shalt  }
0x85: {  	_ =	shalt  }
0x86: {  	_ =	shalt  }
0x87: {  	_ =	shalt  }
.Lfunc_end0:
.L_simem_size_0:
called_computation.1_lowered:
.L_overlay_start_0:
0x88: {  	s2 =	sld [smem:$0x3FD9]  }
0x89: {  	s3 =	sld [smem:$0x3FFE];
	_ =	sdelay $0x1  }
0x8a: {  	s1 =	srdreg.scid  }
0x8b: {  	s0 =	sand.u32 $0x1, s1  }
0x8c: {  	s17 =	sshll.u32 s0, $0xA;
	s2 =	sadd.s32 s3, s2  }
0x8d: {  	s2 =	sadd.s32 s2, s17  }
0x8e: {  	[smem:$0x3FC1] =	sst s2  }
0x8f: {  	_ = 	snop  }
0x90: {  	s2 =	sld [smem:$0x3FC9]  }
0x91: {  	s18 =	sld [smem:$0x3FD0];
	(tm) =	ssettm $0x1  }
0x92: {  	s4 =	sld [smem:$0x3FFB];
	_ =	sdelay $0x3  }
0x93: {  	_ =	strace s4  }
0x94: {  	s4 =	sld [smem:$0x3FFC];
	_ =	sdelay $0x3  }
0x95: {  	_ =	strace s4  }
0x96: {  	s4 =	sld [smem:$0x3FFD];
	_ =	sdelay $0x3  }
0x97: {  	_ =	strace s4  }
0x98: {  	_ =	strace $0x8FFFFFFF  }
0x99: {  	s19 =	sld [smem:$0x3FDB];
	_ =	sdelay $0x1  }
0x9a: {  	s5 =	simm.s32 $_scs_section_size  }
0x9b: {  	s6 =	simm.s32 $_size__tile_overlayer_lowered;
	s7 =	simm.s32 $_tile_overlayer_lowered  }
0x9c: {  	s22 =	simm.s32 $0x1BFF;
	s21 =	sshll.u32 s7, $0x1;
	s4 =	sadd.s32 s5, s19  }
0x9d: {  	s8 =	simm.s32 $0x0;
	s20 =	sshll.u32 s6, $0x1;
	s6 =	sadd.s32 s21, s4  }
0x9e: {  	[timem:s8], [sflag:s22] =	dma.local [hbm:s6], s20  }
0x9f: {  	_ =	swait.ge [sflag:s22], s20  }
0xa0: {  	s5 =	ssub.s32 $0x0, s20;
	[sflag:s22] =	ssyncset.done $0x0  }
0xa1: {  	[sflag:s22] =	ssyncadd.s32 s5;
	_ =	sdelay $0x1  }
0xa2: {  	s23 =	simm.s32 $0x1B8B  }
0xa3: {  	_ =	swait.ge [sflag:s23], $0x1  }
0xa4: {  	[sflag:s23] =	ssyncset.done $0x0  }
0xa5: {  	s25 =	simm.s32 $0x1B8E;
	s24 =	sld [smem:$0x3FFE];
	[sflag:s23] =	ssyncadd.s32 $0xFFFFFFFF  }
0xa6: {  	s26 =	simm.s32 $execute0_lowered;
	[smem:$0x3FD2] =	sst s25  }
0xa7: {  	s6 =	sshll.u32 s26, $0x1;
	_ =	strace $0x80000049;
	[dreg:$0x1] =	wrdreg $0xFFFFFFFF  }
0xa8: {  	s28 =	simm.s32 $_size_execute0_lowered;
	s4 =	sadd.s32 s4, s6;
	[dreg:$0x0] =	wrdreg $0x0  }
0xa9: {  	s6 =	sshll.u32 s28, $0x1;
	[dreg:$0x2] =	wrdreg s4  }
0xaa: {  	[dreg:$0x3] =	wrdreg s6  }
0xab: {  	[dreg:$0x4] =	wrdreg $0xC0  }
0xac: {  	_ =	task [dreg:s8], $0x5FFFF  }
0xad: {  	[dreg:$0x1] =	wrdreg $0xFFFFFFFF  }
0xae: {  	[dreg:$0x0] =	wrdreg $0x60  }
0xaf: {  	[dreg:$0x2] =	wrdreg s2  }
0xb0: {  	[dreg:$0x3] =	wrdreg s24  }
0xb1: {  	[dreg:$0x4] =	wrdreg s18  }
0xb2: {  	[dreg:$0x5] =	wrdreg $0x9  }
0xb3: {  	_ =	task.clear_ibuf [dreg:s8], $0x6FFFF;
	_ =	strace $0x90000049  }
0xb4: {  	s29 =	simm.s32 $0x9;
	_ =	strace $0x8000004B  }
0xb5: {  	_ =	swait.ge [sflag:s29], $0x1  }
0xb6: {  	[sflag:s29] =	ssyncadd.s32 $0xFFFFFFFF  }
0xb7: {  	_ =	strace $0x9000004B  }
0xb8: {  	_ =	sfence  }
0xb9: {  	s30 =	sld [smem:$0x0];
	_ =	sdelay $0x2  }
0xba: {  	s31 =	sshll.u32 s1, $0xD;
	s1 =	sshrl.u32 s1, $0x2  }
0xbb: {  	s3 =	sand.u32 $0x4000, s31;
	s1 =	sadd.s32 s1, s30  }
0xbc: {  	s0 =	sor.u32 s3, s0;
	s1 =	sshll.u32 s1, $0x11  }
0xbd: {  	s0 =	sor.u32 s1, s0  }
0xbe: {  	s0 =	sadd.s32 $0x8F2B, s0  }
0xbf: {  	[sflag:s0] =	ssyncadd.remote.s32 $0x1  }
0xc0: {  	_ =	sfence.sel $0xFFFF  }
0xc1: {  	[dreg:$0x0] =	wrdreg $0xFFFFFFFF;
	(pc) =	sbr.abs _section_cstart, $3  }
0xc2: {  	[dreg:$0x1] =	wrdreg $0xFFFFFFFF  }
0xc3: {  	_ =	task.clear_ibuf [dreg:s8], $0x2FFFF;
	_ =	strace $0x9FFFFFFF  }
0xc4: {  	(tm) =	ssettm $0x7FFFFFFF  }
0xc5: {  	_ =	shalt  }
tec
execute0_lowered:
.L_overlay_start_1:
0x0: {  	(tag) =	ssettag $0x1  }
0x1: {  	s0 =	rddreg [dreg:$0x0];
	s1 =	srdreg.scid  }
0x2: {  	s8 =	stileid.u32;
	s2 =	rddreg [dreg:$0x1];
	s10 =	simm.s32 $0x1  }
0x3: {  	s11 =	simm.s32 $0x80;
	s13 =	simm.s32 $0x880;
	s14 =	simm.s32 $0x100  }
0x4: {  	s15 =	simm.s32 $0x900;
	s16 =	simm.s32 $0x180;
	s17 =	simm.s32 $0x980  }
0x5: {  	s18 =	simm.s32 $0xC00;
	s19 =	simm.s32 $0x5;
	s20 =	simm.s32 $0xA00  }
0x6: {  	s21 =	simm.s32 $0x2;
	s22 =	simm.s32 $0xA80;
	s23 =	simm.s32 $0x3  }
0x7: {  	s24 =	simm.s32 $0xB00;
	s25 =	simm.s32 $0x4;
	s26 =	simm.s32 $0xB80  }
0x8: {  	s28 =	simm.s32 $0x6;
	s1 =	sand.u32 $0x1, s1;
	s3 =	sshll.u32 s8, $0x1  }
0x9: {  	s29 =	simm.s32 $0x0;
	s8 =	sshll.u32 s8, $0x7;
	s5 =	sor.u32 s1, s3  }
0xa: {  	s3 =	simm.s32 $0x0;
	s1 =	ssub.s32 $0x2, s1;
	s30 =	sand.u32 $0x600, s8  }
0xb: {  	s4 =	smul.u32 $0xC0, s5;
	[smem:$0x7FF] =	sst s3;
	s7 =	sshrl.u32 s1, $0x1  }
0xc: {  	s31 =	sshll.u32 s5, $0x4;
	s5 =	sshll.u32 s5, $0x6;
	_ =	strace $0x8000004A  }
0xd: {  	s1 =	ssub.s32 s1, s7;
	s8 =	sand.u32 $0x70, s31;
	s5 =	sadd.s32 s0, s5  }
0xe: {  	s6 =	sadd.s32 s4, s2;
	s4 =	sadd.s32 $0xAE00, s2;
	s2 =	sadd.s32 s2, s30  }
0xf: {  	s6 =	sadd.s32 $0x9600, s6;
	s7 =	sadd.s32 s8, s2;
	s8 =	smax.u32 s1, $0x1  }
.LBB2_1:
0x10: {  	[tilespmem:s3], [sflag:$0x1] =	stream.linear.gather [hbm4b:s5+s3], $0x200, $0x38;
	[tilespmem:$0xC80] =	vst v63  }
0x11: {  	s0 =	simm.s32 $0x200  }
0x12: {  	[tilespmem:s0], [sflag:$0x5] =	stream.linear.gather [hbm4b:s6+s3], $0x600, $0x38;
	[tilespmem:$0xC80] =	vst v63  }
0x13: {  	_ =	swait.ge [sflag:s10], $0x200  }
0x14: {  	[sflag:s10] =	ssyncset.done $0x0  }
0x15: {  	s1 =	simm.s32 $0x800;
	[sflag:s10] =	ssyncadd.s32 $0xFFFFFE00  }
0x16: {  	[tilespmem:s1], [sflag:$0x1] =	stream.indirect.gather [hbm4b:s4+s11], $0x1, s3, s11, $0xb8;
	[tilespmem:$0xC80] =	vst v63  }
0x17: {  	_ = 	snop  }
0x18: {  	[tilespmem:s13], [sflag:$0x2] =	stream.indirect.gather [hbm4b:s4+s11], $0x1, s11, s11, $0xb8;
	[tilespmem:$0xC80] =	vst v63  }
0x19: {  	_ = 	snop  }
0x1a: {  	[tilespmem:s15], [sflag:$0x3] =	stream.indirect.gather [hbm4b:s4+s11], $0x1, s14, s11, $0xb8;
	[tilespmem:$0xC80] =	vst v63  }
0x1b: {  	_ = 	snop  }
0x1c: {  	[tilespmem:s17], [sflag:$0x4] =	stream.indirect.gather [hbm4b:s4+s11], $0x1, s16, s11, $0xb8;
	[tilespmem:$0xC80] =	vst v63  }
0x1d: {  	s2 =	rddreg [dreg:$0x2]  }
0x1e: {  	[tilespmem:s18], [sflag:$0x5] =	stream.linear.gather [hbm4b:s2+s3], $0x80, $0x38;
	[tilespmem:$0xC80] =	vst v63  }
0x1f: {  	_ =	swait.ge [sflag:s19], $0x600  }
0x20: {  	[sflag:s19] =	ssyncset.done $0x0  }
0x21: {  	[sflag:s19] =	ssyncadd.s32 $0xFFFFFA00  }
0x22: {  	_ =	swait.ge [sflag:s19], $0x80  }
0x23: {  	[sflag:s19] =	ssyncset.done $0x0  }
0x24: {  	[sflag:s19] =	ssyncadd.s32 $0xFFFFFF80  }
0x25: {  	v1 =	vld [tilespmem:$0xC00];
	_ =	swait.ge [sflag:s10], $0x80  }
0x26: {  	[sflag:s10] =	ssyncset.done $0x0  }
0x27: {  	s1 =	simm.s32 $0x410;
	[sflag:s10] =	ssyncadd.s32 $0xFFFFFF80  }
0x28: {  	v0 =	vld [tilespmem:s1+$0xFFFFFFF0]  }
0x29: {  	s9 =	simm.s32 $0x810;
	v2 =	vld [tilespmem:s1+$0xFFFFFDF0]  }
0x2a: {  	v3 =	vld [tilespmem:s9+$0xFFFFFFF0];
	_ =	sdelay $0x2  }
0x2b: {  	v4 =	vld [tilespmem:s9+$0x0];
	v0 =	vsub.f32 $0.0e+00, v0  }
0x2c: {  	v5 =	vld [tilespmem:s1+$0x0];
	v2 =	vsub.f32 $0.0e+00, v2  }
0x2d: {  	v6 =	vld [tilespmem:s1+$0xFFFFFE00];
	v3 =	vsub.f32 $0.0e+00, v3;
	v0 =	vmul.f32 $1.442695020e+00, v0  }
0x2e: {  	v2 =	vmul.f32 $1.442695020e+00, v2  }
0x2f: {  	v3 =	vmul.f32 $1.442695020e+00, v3;
	(erf) = vpow2.f32 v0  }
0x30: {  	v4 =	vsub.f32 $0.0e+00, v4;
	(erf) = vpow2.f32 v2  }
0x31: {  	v0 =	vsub.f32 $0.0e+00, v5;
	(erf) = vpow2.f32 v3  }
0x32: {  	v2 =	vmul.f32 $1.442695020e+00, v4;
	v3 =	vsub.f32 $0.0e+00, v6  }
0x33: {  	v0 =	vmul.f32 $1.442695020e+00, v0  }
0x34: {  	(erf) = vpow2.f32 v2;
	v2 =	vmul.f32 $1.442695020e+00, v3;
	_ =	sdelay $0x1  }
0x35: {  	(erf) = vpow2.f32 v0  }
0x36: {  	v0 =	vld [tilespmem:s1+$0x200]  }
0x37: {  	(erf) = vpow2.f32 v2;
	v2 =	vpop (erf)  }
0x38: {  	v3 =	vpop (erf)  }
0x39: {  	v4 =	vpop (erf)  }
0x3a: {  	v4 =	vadd.f32 $1.000000000e+00, v4  }
0x3b: {  	s12 =	simm.s32 $0x430;
	v0 =	vsub.f32 $0.0e+00, v0  }
0x3c: {  	v5 =	vld [tilespmem:s12+$0xFFFFFFF0]  }
0x3d: {  	s2 =	simm.s32 $0x830;
	v7 =	vld [tilespmem:s12+$0xFFFFFDF0];
	v0 =	vmul.f32 $1.442695020e+00, v0;
	v6 =	vpop (erf)  }
0x3e: {  	v8 =	vld [tilespmem:s2+$0xFFFFFFF0];
	v2 =	vadd.f32 $1.000000000e+00, v2;
	(erf) = vrcp.f32 v4;
	v4 =	vpop (erf)  }
0x3f: {  	(erf) = vpow2.f32 v0;
	v4 =	vadd.f32 $1.000000000e+00, v4  }
0x40: {  	v0 =	vadd.f32 $1.000000000e+00, v3;
	(erf) = vrcp.f32 v2;
	v2 =	vld [tilespmem:s2+$0x0]  }
0x41: {  	v6 =	vadd.f32 $1.000000000e+00, v6;
	v3 =	vld [tilespmem:s12+$0x0];
	(erf) = vrcp.f32 v4;
	v4 =	vsub.f32 $0.0e+00, v5;
	v5 =	vpop (erf)  }
0x42: {  	(erf) = vrcp.f32 v0;
	v0 =	vsub.f32 $0.0e+00, v7;
	v5 =	vadd.f32 $1.000000000e+00, v5  }
0x43: {  	v4 =	vmul.f32 $1.442695020e+00, v4;
	(erf) = vrcp.f32 v6;
	v6 =	vsub.f32 $0.0e+00, v8  }
0x44: {  	v0 =	vmul.f32 $1.442695020e+00, v0;
	(erf) = vrcp.f32 v5;
	v5 =	vld [tilespmem:s1+$0x1F0]  }
0x45: {  	v2 =	vsub.f32 $0.0e+00, v2;
	v6 =	vmul.f32 $1.442695020e+00, v6;
	(erf) = vpow2.f32 v4;
	v4 =	vld [tilespmem:s12+$0xFFFFFE00]  }
0x46: {  	v3 =	vsub.f32 $0.0e+00, v3  }
0x47: {  	v2 =	vmul.f32 $1.442695020e+00, v2;
	(erf) = vpow2.f32 v0  }
0x48: {  	v3 =	vmul.f32 $1.442695020e+00, v3;
	(erf) = vpow2.f32 v6;
	v0 =	vpop (erf)  }
0x49: {  	v6 =	vpop (erf);
	(erf) = vpow2.f32 v2;
	v2 =	vsub.f32 $0.0e+00, v5  }
0x4a: {  	v7 =	vpop (erf);
	(erf) = vpow2.f32 v3;
	v3 =	vsub.f32 $0.0e+00, v4  }
0x4b: {  	v5 =	vld [tilespmem:s12+$0x200];
	v8 =	vpop (erf)  }
0x4c: {  	v4 =	vpop (erf);
	v3 =	vmul.f32 $1.442695020e+00, v3  }
0x4d: {  	v9 =	vmul.f32 $1.442695020e+00, v2;
	v2 =	vpop (erf)  }
0x4e: {  	v10 =	vadd.f32 $-5.000000000e-01, v0;
	v7 =	vmul.f32 $8.000000000e+00, v7;
	v11 =	vpop (erf)  }
0x4f: {  	v8 =	vmul.f32 $8.000000000e+00, v8;
	(erf) = vpow2.f32 v9;
	v9 =	vadd.f32 $-5.000000000e-01, v2;
	v12 =	vpop (erf)  }
0x50: {  	v10 =	vmul.f32 $8.000000000e+00, v10;
	v5 =	vsub.f32 $0.0e+00, v5;
	(erf) = vpow2.f32 v3;
	v3 =	vpop (erf)  }
0x51: {  	v8 =	vadd.f32 $-4.000000000e+00, v8;
	v11 =	vmul.f32 $4.000000000e+00, v11;
	v9 =	vmul.f32 $8.000000000e+00, v9;
	v13 =	vpop (erf)  }
0x52: {  	v4 =	vmul.f32 $4.000000000e+00, v4;
	v7 =	vadd.f32 $-4.000000000e+00, v7;
	v13 =	vadd.f32 $1.000000000e+00, v13  }
0x53: {  	s9 =	simm.s32 $0x450;
	v5 =	vmul.f32 $1.442695020e+00, v5;
	v11 =	vmul.f32 $-1.702000020e+00, v11;
	v15 =	vpop (erf);
	v8 =	vsub.f32 v9, v8  }
0x54: {  	v4 =	vmul.f32 $-1.702000020e+00, v4;
	v9 =	vadd.f32 $1.000000000e+00, v12;
	v12 =	vpop (erf);
	(erf) = vrcp.f32 v13;
	v13 =	vld [tilespmem:s9+$0xFFFFFFF0]  }
0x55: {  	v12 =	vadd.f32 $1.000000000e+00, v12;
	(erf) = vpow2.f32 v5;
	v5 =	vmul.f32 v8, v11;
	v8 =	vld [tilespmem:s9+$0xFFFFFDF0]  }
0x56: {  	v7 =	vsub.f32 v10, v7;
	v3 =	vadd.f32 $1.000000000e+00, v3;
	(erf) = vrcp.f32 v9  }
0x57: {  	v14 =	vld [tilespmem:s12+$0x1F0];
	(erf) = vrcp.f32 v12;
	v5 =	vmul.f32 $1.442695020e+00, v5  }
0x58: {  	s12 =	simm.s32 $0x850;
	v4 =	vmul.f32 v7, v4;
	v7 =	vld [tilespmem:s9+$0x0];
	(erf) = vrcp.f32 v3  }
0x59: {  	v9 =	vld [tilespmem:s12+$0xFFFFFFF0];
	v3 =	vadd.f32 $1.000000000e+00, v15;
	(erf) = vpow2.f32 v5;
	v5 =	vsub.f32 $0.0e+00, v13  }
0x5a: {  	vm0 =	veq.s32 v1, $0x0;
	v4 =	vmul.f32 $1.442695020e+00, v4;
	v11 =	vld [tilespmem:s12+$0x0];
	v1 =	vpop (erf);
	v8 =	vsub.f32 $0.0e+00, v8  }
0x5b: {  	v13 =	vpop (erf);
	(erf) = vrcp.f32 v3;
	v5 =	vmul.f32 $1.442695020e+00, v5  }
0x5c: {  	v13 =	vadd.f32 $1.000000000e+00, v13;
	(erf) = vpow2.f32 v4;
	v4 =	vmul.f32 $1.442695020e+00, v8;
	_ =	sdelay $0x1  }
0x5d: {  	v12 =	vld [tilespmem:s9+$0xFFFFFE00];
	v3 =	vadd.f32 $1.000000000e+00, v1;
	v9 =	vsub.f32 $0.0e+00, v9;
	(erf) = vrcp.f32 v13;
	v1 =	vpop (erf)  }
0x5e: {  	v7 =	vsub.f32 $0.0e+00, v7;
	v8 =	vsub.f32 $0.0e+00, v11;
	(erf) = vpow2.f32 v5;
	v5 =	vpop (erf)  }
0x5f: {  	v11 =	vld [tilespmem:s9+$0x200];
	v9 =	vmul.f32 $1.442695020e+00, v9;
	(erf) = vpow2.f32 v4;
	v4 =	vpop (erf)  }
0x60: {  	v6 =	vadd.f32 $1.000000000e+00, v6;
	v10 =	vsub.f32 $0.0e+00, v14;
	v8 =	vmul.f32 $1.442695020e+00, v8;
	v13 =	vpop (erf)  }
0x61: {  	v14 =	vld [tilespmem:s9+$0x1F0];
	(erf) = vpow2.f32 v9;
	v9 =	vadd.f32 $-5.000000000e-01, v1;
	v4 =	vmul.f32 $8.000000000e+00, v4;
	v16 =	vpop (erf)  }
0x62: {  	v10 =	vmul.f32 $1.442695020e+00, v10;
	v15 =	vmul.f32 $1.442695020e+00, v7;
	v12 =	vsub.f32 $0.0e+00, v12;
	v7 =	vpop (erf)  }
0x63: {  	(erf) = vpow2.f32 v8;
	v8 =	vmul.f32 $8.000000000e+00, v9;
	v9 =	vadd.f32 $1.000000000e+00, v7  }
0x64: {  	v19 =	vsub.f32 $0.0e+00, v11;
	(erf) = vpow2.f32 v15;
	v11 =	vmul.f32 $4.000000000e+00, v16  }
0x65: {  	v15 =	vadd.f32 $-4.000000000e+00, v4;
	(erf) = vpow2.f32 v10;
	v10 =	vmul.f32 $1.442695020e+00, v12;
	v4 =	vpop (erf)  }
0x66: {  	v14 =	vsub.f32 $0.0e+00, v14;
	v17 =	vmul.f32 $-1.702000020e+00, v11;
	v12 =	vadd.f32 $-5.000000000e-01, v4  }
0x67: {  	(erf) = vpow2.f32 v10;
	v10 =	vsub.f32 v8, v15;
	v20 =	vmul.f32 v9, v6;
	v9 =	vpop (erf)  }
0x68: {  	v11 =	vmul.f32 $8.000000000e+00, v13;
	v16 =	vpop (erf)  }
0x69: {  	v8 =	vmul.f32 $1.442695020e+00, v14;
	v10 =	vmul.f32 v10, v17;
	v18 =	vadd.f32 $1.000000000e+00, v9;
	v21 =	vpop (erf)  }
0x6a: {  	v13 =	vmul.f32 $8.000000000e+00, v12;
	(erf) = vrcp.f32 v20;
	v12 =	vpop (erf)  }
0x6b: {  	s30 =	simm.s32 $0xA10;
	s31 =	simm.s32 $0xA10;
	v15 =	vmul.f32 $4.000000000e+00, v16;
	v16 =	vadd.f32 $-4.000000000e+00, v11;
	v18 =	vmul.f32 v18, v3;
	v14 =	vpop (erf)  }
0x6c: {  	s0 =	simm.s32 $0x870;
	s2 =	simm.s32 $0x470;
	s1 =	simm.s32 $0x40;
	v11 =	vadd.f32 $1.000000000e+00, v21;
	v17 =	vadd.f32 $1.000000000e+00, v14;
	v14 =	vmul.f32 $1.442695020e+00, v19  }
.LBB2_2:
0x6d: {  	v19 =	vld [tilespmem:s2+$0xFFFFFFF0];
	s1 =	sadd.s32 $0x20, s1;
	v20 =	vpop (erf);
	v15 =	vmul.f32 $-1.702000020e+00, v15;
	v13 =	vsub.f32 v13, v16;
	s30 =	sadd.s32 $0x20, s30;
	(erf) = vrcp.f32 v18  }
0x6e: {  	v12 =	vadd.f32 $1.000000000e+00, v12;
	v9 =	vadd.f32 v9, v3;
	v16 =	vld [tilespmem:s2+$0xFFFFFDF0];
	p0 =	slt.u32 s1, $0x60;
	(erf) = vrcp.f32 v17;
	v17 =	vpop (erf)  }
0x6f: {  	v18 =	vld [tilespmem:s2+$0x0];
	v17 =	vadd.f32 $1.000000000e+00, v17;
	(erf) = vpow2.f32 v14;
	v13 =	vmul.f32 v13, v15;
	v3 =	vpop (erf)  }
0x70: {  	v14 =	vld [tilespmem:s2+$0xFFFFFE00];
	(erf) = vrcp.f32 v11;
	v3 =	vadd.f32 $1.000000000e+00, v3  }
0x71: {  	v15 =	vadd.f32 $1.000000000e+00, v20;
	v11 =	vld [tilespmem:s0+$0xFFFFFFF0];
	(erf) = vrcp.f32 v17;
	v13 =	vmul.f32 $1.442695020e+00, v13  }
0x72: {  	v6 =	vadd.f32 v7, v6;
	v17 =	vsub.f32 $0.0e+00, v19;
	v19 =	vld [tilespmem:s0+$0x0];
	(erf) = vrcp.f32 v12;
	v12 =	vpop (erf)  }
0x73: {  	v7 =	vsub.f32 $0.0e+00, v16;
	v12 =	vadd.f32 $1.000000000e+00, v12;
	(erf) = vpow2.f32 v13  }
0x74: {  	v20 =	vmul.f32 $1.442695020e+00, v10;
	v13 =	vmul.f32 $1.442695020e+00, v17;
	v16 =	vsub.f32 $0.0e+00, v18  }
0x75: {  	v7 =	vmul.f32 $1.442695020e+00, v7;
	v17 =	vld [tilespmem:s2+$0x1F0];
	v14 =	vsub.f32 $0.0e+00, v14;
	(erf) = vrcp.f32 v15;
	v15 =	vpop (erf)  }
0x76: {  	v11 =	vsub.f32 $0.0e+00, v11;
	(erf) = vpow2.f32 v20;
	v6 =	vmul.f32 v15, v6;
	v10 =	vpop (erf)  }
0x77: {  	v15 =	vsub.f32 $0.0e+00, v19;
	v18 =	vpop (erf);
	(erf) = vrcp.f32 v12;
	v9 =	vmul.f32 v10, v9  }
0x78: {  	v19 =	vmul.f32 $1.442695020e+00, v11;
	v11 =	vld [tilespmem:s2+$0x200];
	(erf) = vpow2.f32 v13;
	v12 =	vpop (erf);
	v2 =	vsel vm0, v6, v2  }
0x79: {  	v6 =	vmul.f32 $1.442695020e+00, v15;
	(erf) = vpow2.f32 v7;
	v7 =	vpop (erf);
	v20 =	vsel vm0, v9, v0;
	[tilespmem:s31+$0x0] =	vst v2  }
0x7a: {  	v9 =	vadd.f32 $-5.000000000e-01, v18;
	v2 =	vsub.f32 $0.0e+00, v17;
	(erf) = vpow2.f32 v19;
	v10 =	vpop (erf);
	[tilespmem:s31+$0xFFFFFFF0] =	vst v20;
	s31 =	smov.u32 s30  }
0x7b: {  	v13 =	vmul.f32 $1.442695020e+00, v16;
	v0 =	vmov v1;
	v15 =	vmul.f32 $8.000000000e+00, v7;
	v16 =	vpop (erf)  }
0x7c: {  	v17 =	vmul.f32 $8.000000000e+00, v9;
	(erf) = vpow2.f32 v6;
	v6 =	vadd.f32 $1.000000000e+00, v5;
	v7 =	vpop (erf)  }
0x7d: {  	v1 =	vmovc v18;
	v5 =	vmovc v12;
	v19 =	vsub.f32 $0.0e+00, v11;
	(erf) = vpow2.f32 v13;
	v22 =	vadd.f32 $1.000000000e+00, v7  }
0x7e: {  	v16 =	vmul.f32 $4.000000000e+00, v16;
	v12 =	vadd.f32 $-4.000000000e+00, v15;
	(erf) = vpow2.f32 v8;
	v20 =	vpop (erf)  }
0x7f: {  	v8 =	vmul.f32 $1.442695020e+00, v14;
	v13 =	vadd.f32 $-5.000000000e-01, v20;
	v21 =	vmul.f32 v22, v6;
	v9 =	vpop (erf)  }
.Ltmp0:
0x80: {  	v10 =	vmul.f32 $8.000000000e+00, v10;
	v14 =	vmul.f32 $-1.702000020e+00, v16;
	v11 =	vpop (erf);
	v18 =	vadd.f32 $1.000000000e+00, v9;
	(pc) =	sbr.rel @p0 .LBB2_2-.Ltmp0, $4  }
0x81: {  	v17 =	vsub.f32 v17, v12;
	v22 =	vpop (erf);
	(erf) = vpow2.f32 v8;
	v13 =	vmul.f32 $8.000000000e+00, v13  }
0x82: {  	v16 =	vadd.f32 $-4.000000000e+00, v10;
	v8 =	vmul.f32 $1.442695020e+00, v2;
	v15 =	vmul.f32 $4.000000000e+00, v11;
	v12 =	vpop (erf)  }
0x83: {  	v10 =	vmul.f32 v17, v14;
	v11 =	vadd.f32 $1.000000000e+00, v22;
	v18 =	vmul.f32 v18, v3;
	v2 =	vpop (erf)  }
0x84: {  	s0 =	sadd.s32 $0x20, s0;
	s2 =	sadd.s32 $0x20, s2;
	v14 =	vmul.f32 $1.442695020e+00, v19;
	v17 =	vadd.f32 $1.000000000e+00, v2;
	(erf) = vrcp.f32 v21;
	v2 =	vmovc v4;
	v4 =	vmovc v20  }
0x85: {  	v15 =	vmul.f32 $-1.702000020e+00, v15;
	v13 =	vsub.f32 v13, v16;
	_ =	sdelay $0x1  }
0x86: {  	v19 =	vpop (erf);
	(erf) = vrcp.f32 v18;
	v13 =	vmul.f32 v13, v15  }
0x87: {  	v12 =	vadd.f32 $1.000000000e+00, v12;
	(erf) = vrcp.f32 v17;
	v48 =	vpop (erf)  }
0x88: {  	v16 =	vadd.f32 $1.000000000e+00, v48;
	(erf) = vpow2.f32 v14  }
0x89: {  	(erf) = vrcp.f32 v11  }
0x8a: {  	(erf) = vrcp.f32 v16;
	v11 =	vmul.f32 $1.442695020e+00, v13;
	v13 =	vpop (erf)  }
0x8b: {  	v10 =	vmul.f32 $1.442695020e+00, v10;
	v14 =	vadd.f32 $1.000000000e+00, v19;
	(erf) = vrcp.f32 v12;
	v12 =	vpop (erf)  }
0x8c: {  	(erf) = vpow2.f32 v11;
	v11 =	vadd.f32 $1.000000000e+00, v12  }
0x8d: {  	(erf) = vrcp.f32 v14  }
0x8e: {  	v12 =	vpop (erf);
	(erf) = vpow2.f32 v10  }
0x8f: {  	v10 =	vpop (erf);
	(erf) = vrcp.f32 v11  }
0x90: {  	v11 =	vpop (erf)  }
0x91: {  	v14 =	vpop (erf)  }
0x92: {  	v15 =	vpop (erf)  }
0x93: {  	v16 =	vpop (erf)  }
0x94: {  	v49 =	vpop (erf)  }
0x95: {  	v50 =	vpop (erf)  }
0x96: {  	v51 =	vadd.f32 $-5.000000000e-01, v11;
	v20 =	vpop (erf)  }
0x97: {  	v5 =	vadd.f32 $1.000000000e+00, v5;
	v16 =	vmul.f32 $8.000000000e+00, v16;
	v21 =	vadd.f32 $-5.000000000e-01, v20;
	v22 =	vpop (erf)  }
0x98: {  	v13 =	vadd.f32 $1.000000000e+00, v13;
	v15 =	vmul.f32 $8.000000000e+00, v15;
	v19 =	vmul.f32 $8.000000000e+00, v51;
	v23 =	vpop (erf)  }
0x99: {  	v16 =	vadd.f32 $-4.000000000e+00, v16;
	v21 =	vmul.f32 $8.000000000e+00, v21;
	v23 =	vmul.f32 $4.000000000e+00, v23  }
0x9a: {  	v17 =	vmul.f32 $4.000000000e+00, v49;
	v15 =	vadd.f32 $-4.000000000e+00, v15;
	(erf) = vpow2.f32 v8  }
0x9b: {  	v8 =	vadd.f32 $1.000000000e+00, v50;
	v23 =	vmul.f32 $-1.702000020e+00, v23;
	v16 =	vsub.f32 v21, v16  }
0x9c: {  	v17 =	vmul.f32 $-1.702000020e+00, v17;
	v15 =	vsub.f32 v19, v15;
	v52 =	vadd.f32 $1.000000000e+00, v22  }
0x9d: {  	v8 =	vmul.f32 v8, v5;
	v16 =	vmul.f32 v16, v23  }
0x9e: {  	v15 =	vmul.f32 v15, v17;
	v53 =	vmul.f32 v52, v13  }
0x9f: {  	(erf) = vrcp.f32 v8;
	v8 =	vmul.f32 $1.442695020e+00, v16  }
0xa0: {  	v15 =	vmul.f32 $1.442695020e+00, v15;
	(erf) = vrcp.f32 v53  }
0xa1: {  	(erf) = vpow2.f32 v8  }
0xa2: {  	(erf) = vpow2.f32 v15;
	_ =	sdelay $0x4  }
0xa3: {  	v8 =	vpop (erf)  }
0xa4: {  	v15 =	vpop (erf)  }
0xa5: {  	v54 =	vpop (erf)  }
0xa6: {  	v55 =	vpop (erf)  }
0xa7: {  	v14 =	vadd.f32 $1.000000000e+00, v14;
	v56 =	vadd.f32 $1.000000000e+00, v55;
	v57 =	vpop (erf)  }
0xa8: {  	v8 =	vadd.f32 $1.000000000e+00, v8;
	v58 =	vadd.f32 $1.000000000e+00, v57  }
0xa9: {  	v19 =	vmul.f32 v56, v14  }
0xaa: {  	v23 =	vmul.f32 v58, v8  }
0xab: {  	(erf) = vrcp.f32 v19  }
0xac: {  	(erf) = vrcp.f32 v23;
	_ =	sdelay $0x2  }
0xad: {  	v6 =	vadd.f32 v7, v6;
	v5 =	vadd.f32 v50, v5  }
0xae: {  	v3 =	vadd.f32 v9, v3;
	v7 =	vadd.f32 v22, v13  }
0xaf: {  	v6 =	vmul.f32 v12, v6;
	v5 =	vmul.f32 v15, v5  }
0xb0: {  	v3 =	vmul.f32 v10, v3  }
0xb1: {  	v2 =	vsel vm0, v6, v2;
	v6 =	vadd.f32 v55, v14  }
0xb2: {  	v0 =	vsel vm0, v3, v0;
	[tilespmem:s31+$0x0] =	vst v2;
	v2 =	vmul.f32 v54, v7;
	v3 =	vadd.f32 v57, v8;
	v7 =	vpop (erf)  }
0xb3: {  	s0 =	sadd.s32 $0x20, s30;
	[tilespmem:s31+$0xFFFFFFF0] =	vst v0;
	v0 =	vsel vm0, v5, v4;
	v4 =	vmul.f32 v7, v6;
	v5 =	vpop (erf)  }
0xb4: {  	v1 =	vsel vm0, v2, v1;
	[tilespmem:s0+$0x0] =	vst v0;
	v0 =	vmul.f32 v5, v3  }
0xb5: {  	s1 =	sadd.s32 $0x20, s0;
	[tilespmem:s0+$0xFFFFFFF0] =	vst v1;
	v1 =	vsel vm0, v4, v20  }
0xb6: {  	v0 =	vsel vm0, v0, v11;
	[tilespmem:s1+$0x0] =	vst v1  }
0xb7: {  	[tilespmem:s1+$0xFFFFFFF0] =	vst v0  }
0xb8: {  	[hbm4b:s7+s3] =	stream.linear.scatter [tilespmem:s20], [sflag:$0x6], $0x80, $0x38;
	[tilespmem:$0xC80] =	vst v63  }
0xb9: {  	_ =	swait.ge [sflag:s21], $0x80  }
0xba: {  	[sflag:s21] =	ssyncset.done $0x0  }
0xbb: {  	s1 =	simm.s32 $0x200;
	[sflag:s21] =	ssyncadd.s32 $0xFFFFFF80  }
0xbc: {  	v0 =	vld [tilespmem:s1+$0x80]  }
0xbd: {  	s12 =	simm.s32 $0x890  }
0xbe: {  	s2 =	simm.s32 $0x80;
	v1 =	vld [tilespmem:s12+$0xFFFFFFF0]  }
0xbf: {  	s2 =	sand.u32 $0x3FFFFF80, s2;
	v2 =	vld [tilespmem:s12+$0x0]  }
0xc0: {  	s9 =	sadd.s32 $0x200, s2  }
0xc1: {  	v3 =	vld [tilespmem:s9+$0x200];
	v0 =	vsub.f32 $0.0e+00, v0;
	_ =	sdelay $0x1  }
0xc2: {  	v4 =	vld [tilespmem:s1+$0x290];
	v1 =	vsub.f32 $0.0e+00, v1;
	v0 =	vmul.f32 $1.442695020e+00, v0  }
0xc3: {  	v2 =	vsub.f32 $0.0e+00, v2  }
0xc4: {  	v5 =	vld [tilespmem:s1+$0x90];
	v1 =	vmul.f32 $1.442695020e+00, v1;
	(erf) = vpow2.f32 v0  }
0xc5: {  	v2 =	vmul.f32 $1.442695020e+00, v2;
	v0 =	vsub.f32 $0.0e+00, v3  }
0xc6: {  	(erf) = vpow2.f32 v1  }
0xc7: {  	v0 =	vmul.f32 $1.442695020e+00, v0;
	(erf) = vpow2.f32 v2;
	v2 =	vsub.f32 $0.0e+00, v4  }
0xc8: {  	v1 =	vld [tilespmem:s9+$0x400]  }
0xc9: {  	(erf) = vpow2.f32 v0;
	v0 =	vsub.f32 $0.0e+00, v5;
	v2 =	vmul.f32 $1.442695020e+00, v2;
	_ =	sdelay $0x1  }
0xca: {  	v0 =	vmul.f32 $1.442695020e+00, v0  }
0xcb: {  	(erf) = vpow2.f32 v2  }
0xcc: {  	v1 =	vsub.f32 $0.0e+00, v1;
	(erf) = vpow2.f32 v0;
	v2 =	vpop (erf)  }
0xcd: {  	v0 =	vadd.f32 $1.000000000e+00, v2  }
0xce: {  	v1 =	vmul.f32 $1.442695020e+00, v1;
	v2 =	vpop (erf)  }
0xcf: {  	s0 =	simm.s32 $0x220;
	v3 =	vpop (erf);
	(erf) = vrcp.f32 v0  }
0xd0: {  	v2 =	vadd.f32 $1.000000000e+00, v2;
	v0 =	vadd.f32 $1.000000000e+00, v3;
	(erf) = vpow2.f32 v1;
	v1 =	vld [tilespmem:s0+$0x80]  }
0xd1: {  	s9 =	simm.s32 $0x8B0;
	v3 =	vpop (erf)  }
0xd2: {  	v3 =	vadd.f32 $1.000000000e+00, v3;
	(erf) = vrcp.f32 v0;
	v0 =	vld [tilespmem:s9+$0xFFFFFFF0]  }
0xd3: {  	s12 =	simm.s32 $0xA0;
	v6 =	vld [tilespmem:s1+$0x490];
	(erf) = vrcp.f32 v2  }
0xd4: {  	v7 =	vld [tilespmem:s0+$0x290];
	s2 =	sand.u32 $0x3FFFFF80, s12;
	v2 =	vpop (erf);
	(erf) = vrcp.f32 v3  }
0xd5: {  	s2 =	sadd.s32 $0x220, s2;
	v3 =	vld [tilespmem:s9+$0x0];
	v2 =	vadd.f32 $1.000000000e+00, v2;
	v5 =	vpop (erf);
	v1 =	vsub.f32 $0.0e+00, v1  }
0xd6: {  	v4 =	vld [tilespmem:s2+$0x200];
	v5 =	vadd.f32 $1.000000000e+00, v5  }
0xd7: {  	(erf) = vrcp.f32 v2;
	v0 =	vsub.f32 $0.0e+00, v0;
	v1 =	vmul.f32 $1.442695020e+00, v1  }
0xd8: {  	(erf) = vrcp.f32 v5  }
0xd9: {  	v7 =	vsub.f32 $0.0e+00, v7;
	v2 =	vpop (erf);
	v9 =	vmul.f32 $1.442695020e+00, v0;
	(erf) = vpow2.f32 v1  }
0xda: {  	v6 =	vsub.f32 $0.0e+00, v6;
	v5 =	vld [tilespmem:s0+$0x90];
	v3 =	vsub.f32 $0.0e+00, v3;
	v8 =	vpop (erf)  }
0xdb: {  	v10 =	vld [tilespmem:s2+$0x400];
	v7 =	vmul.f32 $1.442695020e+00, v7;
	v4 =	vsub.f32 $0.0e+00, v4;
	v1 =	vpop (erf)  }
0xdc: {  	v6 =	vmul.f32 $1.442695020e+00, v6;
	v3 =	vmul.f32 $1.442695020e+00, v3;
	v0 =	vpop (erf)  }
0xdd: {  	v4 =	vmul.f32 $1.442695020e+00, v4;
	(erf) = vpow2.f32 v9;
	v9 =	vpop (erf)  }
0xde: {  	(erf) = vpow2.f32 v3;
	v3 =	vmul.f32 $8.000000000e+00, v9;
	v9 =	vadd.f32 $-5.000000000e-01, v0  }
0xdf: {  	v2 =	vmul.f32 $4.000000000e+00, v2;
	v5 =	vsub.f32 $0.0e+00, v5;
	(erf) = vpow2.f32 v4  }
0xe0: {  	v3 =	vadd.f32 $-4.000000000e+00, v3;
	v4 =	vmul.f32 $8.000000000e+00, v9;
	v9 =	vsub.f32 $0.0e+00, v10;
	v10 =	vpop (erf)  }
0xe1: {  	v5 =	vmul.f32 $1.442695020e+00, v5;
	(erf) = vpow2.f32 v7;
	v7 =	vpop (erf)  }
0xe2: {  	v2 =	vmul.f32 $-1.702000020e+00, v2;
	v3 =	vsub.f32 v4, v3;
	v4 =	vmul.f32 $8.000000000e+00, v10;
	v10 =	vpop (erf)  }
0xe3: {  	v11 =	vadd.f32 $-5.000000000e-01, v1;
	(erf) = vpow2.f32 v5;
	v10 =	vadd.f32 $1.000000000e+00, v10  }
0xe4: {  	v9 =	vmul.f32 $1.442695020e+00, v9;
	v2 =	vmul.f32 v3, v2  }
0xe5: {  	v7 =	vmul.f32 $4.000000000e+00, v7;
	v3 =	vadd.f32 $-4.000000000e+00, v4;
	v4 =	vmul.f32 $8.000000000e+00, v11  }
0xe6: {  	v5 =	vpop (erf);
	(erf) = vrcp.f32 v10;
	v2 =	vmul.f32 $1.442695020e+00, v2  }
0xe7: {  	v7 =	vmul.f32 $-1.702000020e+00, v7;
	(erf) = vpow2.f32 v9;
	v3 =	vsub.f32 v4, v3;
	v4 =	vld [tilespmem:s0+$0x490];
	v10 =	vpop (erf)  }
0xe8: {  	s0 =	simm.s32 $0x240;
	v9 =	vadd.f32 $1.000000000e+00, v10;
	(erf) = vpow2.f32 v2  }
0xe9: {  	v2 =	vadd.f32 $1.000000000e+00, v5;
	v10 =	vld [tilespmem:s0+$0x80];
	(erf) = vpow2.f32 v6  }
0xea: {  	v5 =	vpop (erf);
	v3 =	vmul.f32 v3, v7;
	v6 =	vld [tilespmem:s0+$0x90];
	(erf) = vrcp.f32 v9  }
0xeb: {  	s12 =	simm.s32 $0x8D0;
	s9 =	simm.s32 $0xC0;
	v5 =	vadd.f32 $1.000000000e+00, v5;
	v7 =	vpop (erf);
	v9 =	vld [tilespmem:s0+$0x290];
	(erf) = vrcp.f32 v2  }
0xec: {  	s1 =	sand.u32 $0x3FFFFF80, s9;
	v2 =	vmul.f32 $1.442695020e+00, v3;
	v3 =	vadd.f32 $1.000000000e+00, v7;
	v7 =	vld [tilespmem:s12+$0xFFFFFFF0];
	v4 =	vsub.f32 $0.0e+00, v4  }
0xed: {  	s1 =	sadd.s32 $0x240, s1;
	v11 =	vld [tilespmem:s12+$0x0];
	(erf) = vrcp.f32 v5  }
0xee: {  	v13 =	vld [tilespmem:s1+$0x400];
	(erf) = vpow2.f32 v2;
	v2 =	vsub.f32 $0.0e+00, v10  }
0xef: {  	v15 =	vadd.f32 $1.000000000e+00, v8;
	v12 =	vpop (erf);
	v10 =	vld [tilespmem:s1+$0x200];
	v5 =	vmul.f32 $1.442695020e+00, v4;
	(erf) = vrcp.f32 v3  }
0xf0: {  	v3 =	vsub.f32 $0.0e+00, v6;
	v6 =	vadd.f32 $1.000000000e+00, v12;
	v4 =	vpop (erf);
	v2 =	vmul.f32 $1.442695020e+00, v2  }
0xf1: {  	v8 =	vsub.f32 $0.0e+00, v9;
	v9 =	vmul.f32 $4.000000000e+00, v4;
	v7 =	vsub.f32 $0.0e+00, v7  }
0xf2: {  	v4 =	vpop (erf);
	v12 =	vmul.f32 $1.442695020e+00, v3;
	(erf) = vrcp.f32 v6;
	v3 =	vsub.f32 $0.0e+00, v11  }
0xf3: {  	v13 =	vsub.f32 $0.0e+00, v13;
	v59 =	vpop (erf);
	v7 =	vmul.f32 $1.442695020e+00, v7  }
0xf4: {  	(erf) = vpow2.f32 v2;
	v11 =	vpop (erf);
	v10 =	vsub.f32 $0.0e+00, v10;
	v14 =	vmul.f32 $1.442695020e+00, v3  }
0xf5: {  	v63 =	vmul.f32 $1.442695020e+00, v13;
	v8 =	vmul.f32 $1.442695020e+00, v8;
	v6 =	vadd.f32 $1.000000000e+00, v59;
	v2 =	vpop (erf)  }
0xf6: {  	v60 =	vld [tilespmem:s0+$0x490];
	v3 =	vpop (erf);
	v10 =	vmul.f32 $1.442695020e+00, v10;
	(erf) = vpow2.f32 v7  }
0xf7: {  	v6 =	vmul.f32 v6, v15;
	(erf) = vpow2.f32 v14;
	v7 =	vpop (erf)  }
0xf8: {  	(erf) = vpow2.f32 v10;
	v10 =	vadd.f32 $-5.000000000e-01, v3;
	v7 =	vmul.f32 $8.000000000e+00, v7;
	v14 =	vpop (erf)  }
0xf9: {  	v11 =	vadd.f32 $1.000000000e+00, v11;
	(erf) = vrcp.f32 v6;
	v62 =	vadd.f32 $1.000000000e+00, v14  }
0xfa: {  	v9 =	vmul.f32 $-1.702000020e+00, v9;
	v61 =	vpop (erf);
	v6 =	vadd.f32 $-4.000000000e+00, v7;
	v7 =	vmul.f32 $8.000000000e+00, v10  }
0xfb: {  	v17 =	vsub.f32 $0.0e+00, v60;
	(erf) = vpow2.f32 v8;
	v8 =	vpop (erf);
	v10 =	vmul.f32 v62, v11  }
0xfc: {  	v13 =	vadd.f32 $-5.000000000e-01, v2;
	v8 =	vmul.f32 $4.000000000e+00, v8;
	v7 =	vsub.f32 v7, v6  }
0xfd: {  	v18 =	vmul.f32 $8.000000000e+00, v61;
	v6 =	vadd.f32 v14, v11;
	v11 =	vpop (erf);
	(erf) = vrcp.f32 v10  }
0xfe: {  	v14 =	vadd.f32 $1.000000000e+00, v11;
	v7 =	vmul.f32 v7, v9;
	v9 =	vmul.f32 $8.000000000e+00, v13  }
0xff: {  	v18 =	vadd.f32 $-4.000000000e+00, v18;
	v11 =	vmul.f32 $-1.702000020e+00, v8;
	(erf) = vpow2.f32 v12;
	v10 =	vpop (erf)  }
0x100: {  	(erf) = vrcp.f32 v14;
	v10 =	vadd.f32 $1.000000000e+00, v10;
	v8 =	vpop (erf);
	v7 =	vmul.f32 $1.442695020e+00, v7  }
0x101: {  	s30 =	simm.s32 $0xA90;
	s31 =	simm.s32 $0xA90;
	s2 =	simm.s32 $0x8F0;
	(erf) = vpow2.f32 v63;
	v14 =	vsub.f32 v9, v18;
	v12 =	vadd.f32 $1.000000000e+00, v8;
	v13 =	vpop (erf)  }
0x102: {  	s9 =	simm.s32 $0x260;
	s0 =	simm.s32 $0xE0;
	s1 =	simm.s32 $0xC0;
	v8 =	vmul.f32 $1.442695020e+00, v17;
	(erf) = vpow2.f32 v7;
	v7 =	vadd.f32 v59, v15;
	v9 =	vpop (erf)  }
.LBB2_4:
0x103: {  	v15 =	vld [tilespmem:s9+$0x80];
	s12 =	sand.u32 $0x3FFFFF80, s0;
	s1 =	sadd.s32 $0x20, s1;
	v16 =	vmul.f32 v14, v11;
	(erf) = vpow2.f32 v5;
	s30 =	sadd.s32 $0x20, s30  }
0x104: {  	v13 =	vadd.f32 $1.000000000e+00, v13;
	s12 =	sadd.s32 s9, s12;
	v14 =	vld [tilespmem:s9+$0x90];
	p0 =	slt.u32 s1, $0xE0;
	(erf) = vrcp.f32 v12;
	v5 =	vpop (erf);
	v7 =	vmul.f32 v9, v7  }
0x105: {  	v9 =	vld [tilespmem:s9+$0x290];
	v12 =	vadd.f32 $1.000000000e+00, v5;
	(erf) = vrcp.f32 v10;
	v10 =	vmul.f32 $1.442695020e+00, v16;
	v5 =	vmovc v8  }
0x106: {  	v8 =	vld [tilespmem:s2+$0xFFFFFFF0];
	(erf) = vrcp.f32 v13;
	v7 =	vsel vm0, v7, v0;
	v11 =	vpop (erf);
	v0 =	vmov v3  }
0x107: {  	v3 =	vld [tilespmem:s2+$0x0];
	(erf) = vpow2.f32 v10;
	v6 =	vmul.f32 v11, v6  }
0x108: {  	v10 =	vsub.f32 $0.0e+00, v15;
	v11 =	vld [tilespmem:s12+$0x200];
	v13 =	vpop (erf);
	(erf) = vrcp.f32 v12;
	v15 =	vadd.f32 $1.000000000e+00, v4;
	[tilespmem:s31+$0xFFFFFFF0] =	vst v7  }
0x109: {  	v7 =	vld [tilespmem:s12+$0x400];
	v17 =	vsub.f32 $0.0e+00, v14;
	v13 =	vadd.f32 $1.000000000e+00, v13;
	v4 =	vpop (erf);
	v1 =	vsel vm0, v6, v1  }
0x10a: {  	v6 =	vmul.f32 $1.442695020e+00, v10;
	v9 =	vsub.f32 $0.0e+00, v9;
	v10 =	vld [tilespmem:s9+$0x490];
	v14 =	vmul.f32 $4.000000000e+00, v4;
	v4 =	vpop (erf);
	[tilespmem:s31+$0x0] =	vst v1;
	s31 =	smov.u32 s30  }
0x10b: {  	v1 =	vsub.f32 $0.0e+00, v8;
	v8 =	vmul.f32 $1.442695020e+00, v17;
	(erf) = vrcp.f32 v13;
	v16 =	vpop (erf)  }
0x10c: {  	v18 =	vsub.f32 $0.0e+00, v3;
	(erf) = vpow2.f32 v6;
	v6 =	vadd.f32 $1.000000000e+00, v16;
	v12 =	vpop (erf)  }
0x10d: {  	v9 =	vmul.f32 $1.442695020e+00, v9;
	v19 =	vmul.f32 $1.442695020e+00, v1;
	v11 =	vsub.f32 $0.0e+00, v11;
	v13 =	vpop (erf)  }
0x10e: {  	v7 =	vsub.f32 $0.0e+00, v7;
	v20 =	vmul.f32 $1.442695020e+00, v18;
	v3 =	vpop (erf);
	v6 =	vmul.f32 v6, v15  }
0x10f: {  	v11 =	vmul.f32 $1.442695020e+00, v11;
	v18 =	vsub.f32 $0.0e+00, v10;
	(erf) = vpow2.f32 v19;
	v1 =	vpop (erf)  }
0x110: {  	v10 =	vadd.f32 $1.000000000e+00, v12;
	(erf) = vpow2.f32 v20;
	v21 =	vmul.f32 $8.000000000e+00, v1;
	v12 =	vpop (erf)  }
0x111: {  	(erf) = vpow2.f32 v11;
	v11 =	vadd.f32 $-5.000000000e-01, v3;
	v17 =	vpop (erf);
	v19 =	vadd.f32 $1.000000000e+00, v12  }
0x112: {  	v1 =	vmovc v2;
	v2 =	vmovc v13;
	v20 =	vadd.f32 $-4.000000000e+00, v21;
	v17 =	vmul.f32 $8.000000000e+00, v17;
	(erf) = vrcp.f32 v6  }
0x113: {  	v6 =	vadd.f32 v12, v10;
	v11 =	vmul.f32 $8.000000000e+00, v11;
	v10 =	vmul.f32 v19, v10  }
0x114: {  	v7 =	vmul.f32 $1.442695020e+00, v7;
	(erf) = vpow2.f32 v9;
	v9 =	vpop (erf)  }
0x115: {  	v13 =	vmul.f32 $-1.702000020e+00, v14;
	v14 =	vadd.f32 $-5.000000000e-01, v2;
	v12 =	vpop (erf);
	v11 =	vsub.f32 v11, v20  }
0x116: {  	v17 =	vadd.f32 $-4.000000000e+00, v17;
	v9 =	vmul.f32 $4.000000000e+00, v9;
	(erf) = vrcp.f32 v10  }
.Ltmp1:
0x117: {  	v14 =	vmul.f32 $8.000000000e+00, v14;
	v12 =	vadd.f32 $1.000000000e+00, v12;
	v19 =	vmul.f32 v11, v13;
	(pc) =	sbr.rel @p0 .LBB2_4-.Ltmp1, $4  }
0x118: {  	v11 =	vmul.f32 $-1.702000020e+00, v9;
	v10 =	vpop (erf);
	(erf) = vpow2.f32 v8  }
0x119: {  	v10 =	vadd.f32 $1.000000000e+00, v10;
	(erf) = vrcp.f32 v12;
	v8 =	vpop (erf);
	v19 =	vmul.f32 $1.442695020e+00, v19  }
0x11a: {  	v14 =	vsub.f32 v14, v17;
	v12 =	vadd.f32 $1.000000000e+00, v8;
	v13 =	vpop (erf);
	(erf) = vpow2.f32 v7  }
0x11b: {  	s0 =	sadd.s32 $0x20, s0;
	s2 =	sadd.s32 $0x20, s2;
	s9 =	sadd.s32 $0x20, s9;
	v8 =	vmul.f32 $1.442695020e+00, v18;
	v7 =	vadd.f32 v16, v15;
	(erf) = vpow2.f32 v19;
	v9 =	vpop (erf)  }
0x11c: {  	(erf) = vpow2.f32 v5;
	v5 =	vmul.f32 v14, v11  }
0x11d: {  	v11 =	vadd.f32 $1.000000000e+00, v13  }
0x11e: {  	v5 =	vmul.f32 $1.442695020e+00, v5  }
0x11f: {  	(erf) = vrcp.f32 v12  }
0x120: {  	(erf) = vrcp.f32 v10;
	v10 =	vpop (erf)  }
0x121: {  	(erf) = vrcp.f32 v11;
	v10 =	vadd.f32 $1.000000000e+00, v10;
	v11 =	vpop (erf)  }
0x122: {  	(erf) = vpow2.f32 v5;
	v5 =	vpop (erf)  }
0x123: {  	v5 =	vadd.f32 $1.000000000e+00, v5  }
0x124: {  	(erf) = vrcp.f32 v10  }
0x125: {  	v10 =	vpop (erf)  }
0x126: {  	v12 =	vpop (erf);
	(erf) = vrcp.f32 v5  }
0x127: {  	v5 =	vpop (erf)  }
0x128: {  	v13 =	vpop (erf)  }
0x129: {  	v14 =	vpop (erf)  }
0x12a: {  	v15 =	vpop (erf)  }
0x12b: {  	v16 =	vpop (erf)  }
0x12c: {  	v17 =	vadd.f32 $-5.000000000e-01, v15;
	v16 =	vmul.f32 $8.000000000e+00, v16;
	v18 =	vpop (erf)  }
0x12d: {  	v4 =	vadd.f32 $1.000000000e+00, v4;
	v10 =	vmul.f32 $4.000000000e+00, v10;
	v20 =	vadd.f32 $-5.000000000e-01, v14;
	v19 =	vpop (erf)  }
0x12e: {  	v17 =	vmul.f32 $8.000000000e+00, v17;
	v16 =	vadd.f32 $-4.000000000e+00, v16;
	v19 =	vmul.f32 $8.000000000e+00, v19  }
0x12f: {  	v10 =	vmul.f32 $-1.702000020e+00, v10;
	v21 =	vadd.f32 $1.000000000e+00, v5;
	v20 =	vmul.f32 $8.000000000e+00, v20;
	v22 =	vpop (erf)  }
0x130: {  	v49 =	vmul.f32 $4.000000000e+00, v22;
	v16 =	vsub.f32 v17, v16;
	v19 =	vadd.f32 $-4.000000000e+00, v19  }
0x131: {  	v13 =	vadd.f32 $1.000000000e+00, v13;
	v21 =	vmul.f32 v21, v4;
	v50 =	vadd.f32 $1.000000000e+00, v18  }
0x132: {  	v51 =	vmul.f32 $-1.702000020e+00, v49;
	v10 =	vmul.f32 v16, v10;
	v52 =	vsub.f32 v20, v19  }
0x133: {  	(erf) = vrcp.f32 v21;
	v53 =	vmul.f32 v50, v13  }
0x134: {  	v10 =	vmul.f32 $1.442695020e+00, v10;
	v16 =	vmul.f32 v52, v51  }
0x135: {  	(erf) = vrcp.f32 v53  }
0x136: {  	(erf) = vpow2.f32 v10;
	v10 =	vmul.f32 $1.442695020e+00, v16  }
0x137: {  	(erf) = vpow2.f32 v8  }
0x138: {  	(erf) = vpow2.f32 v10;
	_ =	sdelay $0x4  }
0x139: {  	v8 =	vpop (erf)  }
0x13a: {  	v10 =	vpop (erf)  }
0x13b: {  	v54 =	vpop (erf)  }
0x13c: {  	v55 =	vpop (erf)  }
0x13d: {  	v12 =	vadd.f32 $1.000000000e+00, v12;
	v56 =	vadd.f32 $1.000000000e+00, v54;
	v57 =	vpop (erf)  }
0x13e: {  	v17 =	vadd.f32 $1.000000000e+00, v55;
	v58 =	vadd.f32 $1.000000000e+00, v57  }
0x13f: {  	v19 =	vmul.f32 v56, v12  }
0x140: {  	v21 =	vmul.f32 v58, v17  }
0x141: {  	(erf) = vrcp.f32 v19  }
0x142: {  	(erf) = vrcp.f32 v21;
	_ =	sdelay $0x2  }
0x143: {  	v4 =	vadd.f32 v5, v4  }
0x144: {  	v5 =	vmul.f32 v11, v6;
	v6 =	vadd.f32 v18, v13  }
0x145: {  	v7 =	vmul.f32 v9, v7;
	v4 =	vmul.f32 v8, v4;
	_ =	sdelay $0x1  }
0x146: {  	v0 =	vsel vm0, v7, v0;
	v7 =	vadd.f32 v54, v12  }
0x147: {  	[tilespmem:s31+$0xFFFFFFF0] =	vst v0;
	v0 =	vsel vm0, v5, v1;
	v1 =	vmul.f32 v10, v6;
	v5 =	vadd.f32 v57, v17;
	v6 =	vpop (erf)  }
0x148: {  	s0 =	sadd.s32 $0x20, s30;
	[tilespmem:s31+$0x0] =	vst v0;
	v0 =	vsel vm0, v4, v3;
	v3 =	vmul.f32 v6, v7;
	v4 =	vpop (erf)  }
0x149: {  	[tilespmem:s0+$0xFFFFFFF0] =	vst v0;
	v0 =	vsel vm0, v1, v2;
	v1 =	vmul.f32 v4, v5  }
0x14a: {  	s1 =	sadd.s32 $0x20, s0;
	[tilespmem:s0+$0x0] =	vst v0;
	v0 =	vsel vm0, v3, v15  }
0x14b: {  	[tilespmem:s1+$0xFFFFFFF0] =	vst v0;
	v0 =	vsel vm0, v1, v14  }
0x14c: {  	s9 =	sadd.s32 $0x80, s7;
	[tilespmem:s1+$0x0] =	vst v0  }
0x14d: {  	[hbm4b:s9+s3] =	stream.linear.scatter [tilespmem:s22], [sflag:$0x6], $0x80, $0x38;
	[tilespmem:$0xC80] =	vst v63  }
0x14e: {  	_ =	swait.ge [sflag:s23], $0x80  }
0x14f: {  	[sflag:s23] =	ssyncset.done $0x0  }
0x150: {  	s1 =	simm.s32 $0x200;
	[sflag:s23] =	ssyncadd.s32 $0xFFFFFF80  }
0x151: {  	v0 =	vld [tilespmem:s1+$0x100]  }
0x152: {  	s12 =	simm.s32 $0x910  }
0x153: {  	s2 =	simm.s32 $0x100;
	v1 =	vld [tilespmem:s12+$0xFFFFFFF0]  }
0x154: {  	s2 =	sand.u32 $0x3FFFFF80, s2;
	v2 =	vld [tilespmem:s12+$0x0]  }
0x155: {  	s9 =	sadd.s32 $0x200, s2  }
0x156: {  	v3 =	vld [tilespmem:s9+$0x200];
	v0 =	vsub.f32 $0.0e+00, v0;
	_ =	sdelay $0x1  }
0x157: {  	v4 =	vld [tilespmem:s1+$0x310];
	v1 =	vsub.f32 $0.0e+00, v1;
	v0 =	vmul.f32 $1.442695020e+00, v0  }
0x158: {  	v2 =	vsub.f32 $0.0e+00, v2  }
0x159: {  	v5 =	vld [tilespmem:s1+$0x110];
	v1 =	vmul.f32 $1.442695020e+00, v1;
	(erf) = vpow2.f32 v0  }
0x15a: {  	v2 =	vmul.f32 $1.442695020e+00, v2;
	v0 =	vsub.f32 $0.0e+00, v3  }
0x15b: {  	(erf) = vpow2.f32 v1  }
0x15c: {  	v0 =	vmul.f32 $1.442695020e+00, v0;
	(erf) = vpow2.f32 v2;
	v2 =	vsub.f32 $0.0e+00, v4  }
0x15d: {  	v1 =	vld [tilespmem:s9+$0x400]  }
0x15e: {  	(erf) = vpow2.f32 v0;
	v0 =	vsub.f32 $0.0e+00, v5;
	v2 =	vmul.f32 $1.442695020e+00, v2;
	_ =	sdelay $0x1  }
0x15f: {  	v0 =	vmul.f32 $1.442695020e+00, v0  }
0x160: {  	(erf) = vpow2.f32 v2  }
0x161: {  	v1 =	vsub.f32 $0.0e+00, v1;
	(erf) = vpow2.f32 v0;
	v2 =	vpop (erf)  }
0x162: {  	v0 =	vadd.f32 $1.000000000e+00, v2  }
0x163: {  	v1 =	vmul.f32 $1.442695020e+00, v1;
	v2 =	vpop (erf)  }
0x164: {  	s0 =	simm.s32 $0x220;
	v3 =	vpop (erf);
	(erf) = vrcp.f32 v0  }
0x165: {  	v2 =	vadd.f32 $1.000000000e+00, v2;
	v0 =	vadd.f32 $1.000000000e+00, v3;
	(erf) = vpow2.f32 v1;
	v1 =	vld [tilespmem:s0+$0x100]  }
0x166: {  	s9 =	simm.s32 $0x930;
	v3 =	vpop (erf)  }
0x167: {  	v3 =	vadd.f32 $1.000000000e+00, v3;
	(erf) = vrcp.f32 v0;
	v0 =	vld [tilespmem:s9+$0xFFFFFFF0]  }
0x168: {  	s12 =	simm.s32 $0x120;
	v6 =	vld [tilespmem:s1+$0x510];
	(erf) = vrcp.f32 v2  }
0x169: {  	v7 =	vld [tilespmem:s0+$0x310];
	s2 =	sand.u32 $0x3FFFFF80, s12;
	v2 =	vpop (erf);
	(erf) = vrcp.f32 v3  }
0x16a: {  	s2 =	sadd.s32 $0x220, s2;
	v3 =	vld [tilespmem:s9+$0x0];
	v2 =	vadd.f32 $1.000000000e+00, v2;
	v5 =	vpop (erf);
	v1 =	vsub.f32 $0.0e+00, v1  }
0x16b: {  	v4 =	vld [tilespmem:s2+$0x200];
	v5 =	vadd.f32 $1.000000000e+00, v5  }
0x16c: {  	(erf) = vrcp.f32 v2;
	v0 =	vsub.f32 $0.0e+00, v0;
	v1 =	vmul.f32 $1.442695020e+00, v1  }
0x16d: {  	(erf) = vrcp.f32 v5  }
0x16e: {  	v7 =	vsub.f32 $0.0e+00, v7;
	v2 =	vpop (erf);
	v9 =	vmul.f32 $1.442695020e+00, v0;
	(erf) = vpow2.f32 v1  }
0x16f: {  	v6 =	vsub.f32 $0.0e+00, v6;
	v5 =	vld [tilespmem:s0+$0x110];
	v3 =	vsub.f32 $0.0e+00, v3;
	v8 =	vpop (erf)  }
0x170: {  	v10 =	vld [tilespmem:s2+$0x400];
	v7 =	vmul.f32 $1.442695020e+00, v7;
	v4 =	vsub.f32 $0.0e+00, v4;
	v1 =	vpop (erf)  }
0x171: {  	v6 =	vmul.f32 $1.442695020e+00, v6;
	v3 =	vmul.f32 $1.442695020e+00, v3;
	v0 =	vpop (erf)  }
0x172: {  	v4 =	vmul.f32 $1.442695020e+00, v4;
	(erf) = vpow2.f32 v9;
	v9 =	vpop (erf)  }
0x173: {  	(erf) = vpow2.f32 v3;
	v3 =	vmul.f32 $8.000000000e+00, v9;
	v9 =	vadd.f32 $-5.000000000e-01, v0  }
0x174: {  	v2 =	vmul.f32 $4.000000000e+00, v2;
	v5 =	vsub.f32 $0.0e+00, v5;
	(erf) = vpow2.f32 v4  }
0x175: {  	v3 =	vadd.f32 $-4.000000000e+00, v3;
	v4 =	vmul.f32 $8.000000000e+00, v9;
	v9 =	vsub.f32 $0.0e+00, v10;
	v10 =	vpop (erf)  }
0x176: {  	v5 =	vmul.f32 $1.442695020e+00, v5;
	(erf) = vpow2.f32 v7;
	v7 =	vpop (erf)  }
0x177: {  	v2 =	vmul.f32 $-1.702000020e+00, v2;
	v3 =	vsub.f32 v4, v3;
	v4 =	vmul.f32 $8.000000000e+00, v10;
	v10 =	vpop (erf)  }
0x178: {  	v11 =	vadd.f32 $-5.000000000e-01, v1;
	(erf) = vpow2.f32 v5;
	v10 =	vadd.f32 $1.000000000e+00, v10  }
0x179: {  	v9 =	vmul.f32 $1.442695020e+00, v9;
	v2 =	vmul.f32 v3, v2  }
0x17a: {  	v7 =	vmul.f32 $4.000000000e+00, v7;
	v3 =	vadd.f32 $-4.000000000e+00, v4;
	v4 =	vmul.f32 $8.000000000e+00, v11  }
0x17b: {  	v5 =	vpop (erf);
	(erf) = vrcp.f32 v10;
	v2 =	vmul.f32 $1.442695020e+00, v2  }
0x17c: {  	v7 =	vmul.f32 $-1.702000020e+00, v7;
	(erf) = vpow2.f32 v9;
	v3 =	vsub.f32 v4, v3;
	v4 =	vld [tilespmem:s0+$0x510];
	v10 =	vpop (erf)  }
0x17d: {  	s0 =	simm.s32 $0x240;
	v9 =	vadd.f32 $1.000000000e+00, v10;
	(erf) = vpow2.f32 v2  }
0x17e: {  	v2 =	vadd.f32 $1.000000000e+00, v5;
	v10 =	vld [tilespmem:s0+$0x100];
	(erf) = vpow2.f32 v6  }
0x17f: {  	v5 =	vpop (erf);
	v3 =	vmul.f32 v3, v7;
	v6 =	vld [tilespmem:s0+$0x110];
	(erf) = vrcp.f32 v9  }
0x180: {  	s12 =	simm.s32 $0x950;
	s9 =	simm.s32 $0x140;
	v5 =	vadd.f32 $1.000000000e+00, v5;
	v7 =	vpop (erf);
	v9 =	vld [tilespmem:s0+$0x310];
	(erf) = vrcp.f32 v2  }
0x181: {  	s1 =	sand.u32 $0x3FFFFF80, s9;
	v2 =	vmul.f32 $1.442695020e+00, v3;
	v3 =	vadd.f32 $1.000000000e+00, v7;
	v7 =	vld [tilespmem:s12+$0xFFFFFFF0];
	v4 =	vsub.f32 $0.0e+00, v4  }
0x182: {  	s1 =	sadd.s32 $0x240, s1;
	v11 =	vld [tilespmem:s12+$0x0];
	(erf) = vrcp.f32 v5  }
0x183: {  	v13 =	vld [tilespmem:s1+$0x400];
	(erf) = vpow2.f32 v2;
	v2 =	vsub.f32 $0.0e+00, v10  }
0x184: {  	v15 =	vadd.f32 $1.000000000e+00, v8;
	v12 =	vpop (erf);
	v10 =	vld [tilespmem:s1+$0x200];
	v5 =	vmul.f32 $1.442695020e+00, v4;
	(erf) = vrcp.f32 v3  }
0x185: {  	v3 =	vsub.f32 $0.0e+00, v6;
	v6 =	vadd.f32 $1.000000000e+00, v12;
	v4 =	vpop (erf);
	v2 =	vmul.f32 $1.442695020e+00, v2  }
0x186: {  	v8 =	vsub.f32 $0.0e+00, v9;
	v9 =	vmul.f32 $4.000000000e+00, v4;
	v7 =	vsub.f32 $0.0e+00, v7  }
0x187: {  	v4 =	vpop (erf);
	v12 =	vmul.f32 $1.442695020e+00, v3;
	(erf) = vrcp.f32 v6;
	v3 =	vsub.f32 $0.0e+00, v11  }
0x188: {  	v13 =	vsub.f32 $0.0e+00, v13;
	v59 =	vpop (erf);
	v7 =	vmul.f32 $1.442695020e+00, v7  }
0x189: {  	(erf) = vpow2.f32 v2;
	v11 =	vpop (erf);
	v10 =	vsub.f32 $0.0e+00, v10;
	v14 =	vmul.f32 $1.442695020e+00, v3  }
0x18a: {  	v63 =	vmul.f32 $1.442695020e+00, v13;
	v8 =	vmul.f32 $1.442695020e+00, v8;
	v6 =	vadd.f32 $1.000000000e+00, v59;
	v2 =	vpop (erf)  }
0x18b: {  	v60 =	vld [tilespmem:s0+$0x510];
	v3 =	vpop (erf);
	v10 =	vmul.f32 $1.442695020e+00, v10;
	(erf) = vpow2.f32 v7  }
0x18c: {  	v6 =	vmul.f32 v6, v15;
	(erf) = vpow2.f32 v14;
	v7 =	vpop (erf)  }
0x18d: {  	(erf) = vpow2.f32 v10;
	v10 =	vadd.f32 $-5.000000000e-01, v3;
	v7 =	vmul.f32 $8.000000000e+00, v7;
	v14 =	vpop (erf)  }
0x18e: {  	v11 =	vadd.f32 $1.000000000e+00, v11;
	(erf) = vrcp.f32 v6;
	v62 =	vadd.f32 $1.000000000e+00, v14  }
0x18f: {  	v9 =	vmul.f32 $-1.702000020e+00, v9;
	v61 =	vpop (erf);
	v6 =	vadd.f32 $-4.000000000e+00, v7;
	v7 =	vmul.f32 $8.000000000e+00, v10  }
0x190: {  	v17 =	vsub.f32 $0.0e+00, v60;
	(erf) = vpow2.f32 v8;
	v8 =	vpop (erf);
	v10 =	vmul.f32 v62, v11  }
0x191: {  	v13 =	vadd.f32 $-5.000000000e-01, v2;
	v8 =	vmul.f32 $4.000000000e+00, v8;
	v7 =	vsub.f32 v7, v6  }
0x192: {  	v18 =	vmul.f32 $8.000000000e+00, v61;
	v6 =	vadd.f32 v14, v11;
	v11 =	vpop (erf);
	(erf) = vrcp.f32 v10  }
0x193: {  	v14 =	vadd.f32 $1.000000000e+00, v11;
	v7 =	vmul.f32 v7, v9;
	v9 =	vmul.f32 $8.000000000e+00, v13  }
0x194: {  	v18 =	vadd.f32 $-4.000000000e+00, v18;
	v11 =	vmul.f32 $-1.702000020e+00, v8;
	(erf) = vpow2.f32 v12;
	v10 =	vpop (erf)  }
0x195: {  	(erf) = vrcp.f32 v14;
	v10 =	vadd.f32 $1.000000000e+00, v10;
	v8 =	vpop (erf);
	v7 =	vmul.f32 $1.442695020e+00, v7  }
0x196: {  	s30 =	simm.s32 $0xB10;
	s31 =	simm.s32 $0xB10;
	s2 =	simm.s32 $0x970;
	(erf) = vpow2.f32 v63;
	v14 =	vsub.f32 v9, v18;
	v12 =	vadd.f32 $1.000000000e+00, v8;
	v13 =	vpop (erf)  }
0x197: {  	s9 =	simm.s32 $0x260;
	s0 =	simm.s32 $0x160;
	s1 =	simm.s32 $0x140;
	v8 =	vmul.f32 $1.442695020e+00, v17;
	(erf) = vpow2.f32 v7;
	v7 =	vadd.f32 v59, v15;
	v9 =	vpop (erf)  }
.LBB2_6:
0x198: {  	v15 =	vld [tilespmem:s9+$0x100];
	s12 =	sand.u32 $0x3FFFFF80, s0;
	s1 =	sadd.s32 $0x20, s1;
	v16 =	vmul.f32 v14, v11;
	(erf) = vpow2.f32 v5;
	s30 =	sadd.s32 $0x20, s30  }
0x199: {  	v13 =	vadd.f32 $1.000000000e+00, v13;
	s12 =	sadd.s32 s9, s12;
	v14 =	vld [tilespmem:s9+$0x110];
	p0 =	slt.u32 s1, $0x160;
	(erf) = vrcp.f32 v12;
	v5 =	vpop (erf);
	v7 =	vmul.f32 v9, v7  }
0x19a: {  	v9 =	vld [tilespmem:s9+$0x310];
	v12 =	vadd.f32 $1.000000000e+00, v5;
	(erf) = vrcp.f32 v10;
	v10 =	vmul.f32 $1.442695020e+00, v16;
	v5 =	vmovc v8  }
0x19b: {  	v8 =	vld [tilespmem:s2+$0xFFFFFFF0];
	(erf) = vrcp.f32 v13;
	v7 =	vsel vm0, v7, v0;
	v11 =	vpop (erf);
	v0 =	vmov v3  }
0x19c: {  	v3 =	vld [tilespmem:s2+$0x0];
	(erf) = vpow2.f32 v10;
	v6 =	vmul.f32 v11, v6  }
0x19d: {  	v10 =	vsub.f32 $0.0e+00, v15;
	v11 =	vld [tilespmem:s12+$0x200];
	v13 =	vpop (erf);
	(erf) = vrcp.f32 v12;
	v15 =	vadd.f32 $1.000000000e+00, v4;
	[tilespmem:s31+$0xFFFFFFF0] =	vst v7  }
0x19e: {  	v7 =	vld [tilespmem:s12+$0x400];
	v17 =	vsub.f32 $0.0e+00, v14;
	v13 =	vadd.f32 $1.000000000e+00, v13;
	v4 =	vpop (erf);
	v1 =	vsel vm0, v6, v1  }
0x19f: {  	v6 =	vmul.f32 $1.442695020e+00, v10;
	v9 =	vsub.f32 $0.0e+00, v9;
	v10 =	vld [tilespmem:s9+$0x510];
	v14 =	vmul.f32 $4.000000000e+00, v4;
	v4 =	vpop (erf);
	[tilespmem:s31+$0x0] =	vst v1;
	s31 =	smov.u32 s30  }
0x1a0: {  	v1 =	vsub.f32 $0.0e+00, v8;
	v8 =	vmul.f32 $1.442695020e+00, v17;
	(erf) = vrcp.f32 v13;
	v16 =	vpop (erf)  }
0x1a1: {  	v18 =	vsub.f32 $0.0e+00, v3;
	(erf) = vpow2.f32 v6;
	v6 =	vadd.f32 $1.000000000e+00, v16;
	v12 =	vpop (erf)  }
0x1a2: {  	v9 =	vmul.f32 $1.442695020e+00, v9;
	v19 =	vmul.f32 $1.442695020e+00, v1;
	v11 =	vsub.f32 $0.0e+00, v11;
	v13 =	vpop (erf)  }
0x1a3: {  	v7 =	vsub.f32 $0.0e+00, v7;
	v20 =	vmul.f32 $1.442695020e+00, v18;
	v3 =	vpop (erf);
	v6 =	vmul.f32 v6, v15  }
0x1a4: {  	v11 =	vmul.f32 $1.442695020e+00, v11;
	v18 =	vsub.f32 $0.0e+00, v10;
	(erf) = vpow2.f32 v19;
	v1 =	vpop (erf)  }
0x1a5: {  	v10 =	vadd.f32 $1.000000000e+00, v12;
	(erf) = vpow2.f32 v20;
	v21 =	vmul.f32 $8.000000000e+00, v1;
	v12 =	vpop (erf)  }
0x1a6: {  	(erf) = vpow2.f32 v11;
	v11 =	vadd.f32 $-5.000000000e-01, v3;
	v17 =	vpop (erf);
	v19 =	vadd.f32 $1.000000000e+00, v12  }
0x1a7: {  	v1 =	vmovc v2;
	v2 =	vmovc v13;
	v20 =	vadd.f32 $-4.000000000e+00, v21;
	v17 =	vmul.f32 $8.000000000e+00, v17;
	(erf) = vrcp.f32 v6  }
0x1a8: {  	v6 =	vadd.f32 v12, v10;
	v11 =	vmul.f32 $8.000000000e+00, v11;
	v10 =	vmul.f32 v19, v10  }
0x1a9: {  	v7 =	vmul.f32 $1.442695020e+00, v7;
	(erf) = vpow2.f32 v9;
	v9 =	vpop (erf)  }
0x1aa: {  	v13 =	vmul.f32 $-1.702000020e+00, v14;
	v14 =	vadd.f32 $-5.000000000e-01, v2;
	v12 =	vpop (erf);
	v11 =	vsub.f32 v11, v20  }
0x1ab: {  	v17 =	vadd.f32 $-4.000000000e+00, v17;
	v9 =	vmul.f32 $4.000000000e+00, v9;
	(erf) = vrcp.f32 v10  }
.Ltmp2:
0x1ac: {  	v14 =	vmul.f32 $8.000000000e+00, v14;
	v12 =	vadd.f32 $1.000000000e+00, v12;
	v19 =	vmul.f32 v11, v13;
	(pc) =	sbr.rel @p0 .LBB2_6-.Ltmp2, $4  }
0x1ad: {  	v11 =	vmul.f32 $-1.702000020e+00, v9;
	v10 =	vpop (erf);
	(erf) = vpow2.f32 v8  }
0x1ae: {  	v10 =	vadd.f32 $1.000000000e+00, v10;
	(erf) = vrcp.f32 v12;
	v8 =	vpop (erf);
	v19 =	vmul.f32 $1.442695020e+00, v19  }
0x1af: {  	v14 =	vsub.f32 v14, v17;
	v12 =	vadd.f32 $1.000000000e+00, v8;
	v13 =	vpop (erf);
	(erf) = vpow2.f32 v7  }
0x1b0: {  	s0 =	sadd.s32 $0x20, s0;
	s2 =	sadd.s32 $0x20, s2;
	s9 =	sadd.s32 $0x20, s9;
	v8 =	vmul.f32 $1.442695020e+00, v18;
	v7 =	vadd.f32 v16, v15;
	(erf) = vpow2.f32 v19;
	v9 =	vpop (erf)  }
0x1b1: {  	(erf) = vpow2.f32 v5;
	v5 =	vmul.f32 v14, v11  }
0x1b2: {  	v11 =	vadd.f32 $1.000000000e+00, v13  }
0x1b3: {  	v5 =	vmul.f32 $1.442695020e+00, v5  }
0x1b4: {  	(erf) = vrcp.f32 v12  }
0x1b5: {  	(erf) = vrcp.f32 v10;
	v10 =	vpop (erf)  }
0x1b6: {  	(erf) = vrcp.f32 v11;
	v10 =	vadd.f32 $1.000000000e+00, v10;
	v11 =	vpop (erf)  }
0x1b7: {  	(erf) = vpow2.f32 v5;
	v5 =	vpop (erf)  }
0x1b8: {  	v5 =	vadd.f32 $1.000000000e+00, v5  }
0x1b9: {  	(erf) = vrcp.f32 v10  }
0x1ba: {  	v10 =	vpop (erf)  }
0x1bb: {  	v12 =	vpop (erf);
	(erf) = vrcp.f32 v5  }
0x1bc: {  	v5 =	vpop (erf)  }
0x1bd: {  	v13 =	vpop (erf)  }
0x1be: {  	v14 =	vpop (erf)  }
0x1bf: {  	v15 =	vpop (erf)  }
0x1c0: {  	v16 =	vpop (erf)  }
0x1c1: {  	v17 =	vadd.f32 $-5.000000000e-01, v15;
	v16 =	vmul.f32 $8.000000000e+00, v16;
	v18 =	vpop (erf)  }
0x1c2: {  	v4 =	vadd.f32 $1.000000000e+00, v4;
	v10 =	vmul.f32 $4.000000000e+00, v10;
	v20 =	vadd.f32 $-5.000000000e-01, v14;
	v19 =	vpop (erf)  }
0x1c3: {  	v17 =	vmul.f32 $8.000000000e+00, v17;
	v16 =	vadd.f32 $-4.000000000e+00, v16;
	v19 =	vmul.f32 $8.000000000e+00, v19  }
0x1c4: {  	v10 =	vmul.f32 $-1.702000020e+00, v10;
	v21 =	vadd.f32 $1.000000000e+00, v5;
	v20 =	vmul.f32 $8.000000000e+00, v20;
	v22 =	vpop (erf)  }
0x1c5: {  	v49 =	vmul.f32 $4.000000000e+00, v22;
	v16 =	vsub.f32 v17, v16;
	v19 =	vadd.f32 $-4.000000000e+00, v19  }
0x1c6: {  	v13 =	vadd.f32 $1.000000000e+00, v13;
	v21 =	vmul.f32 v21, v4;
	v50 =	vadd.f32 $1.000000000e+00, v18  }
0x1c7: {  	v51 =	vmul.f32 $-1.702000020e+00, v49;
	v10 =	vmul.f32 v16, v10;
	v52 =	vsub.f32 v20, v19  }
0x1c8: {  	(erf) = vrcp.f32 v21;
	v53 =	vmul.f32 v50, v13  }
0x1c9: {  	v10 =	vmul.f32 $1.442695020e+00, v10;
	v16 =	vmul.f32 v52, v51  }
0x1ca: {  	(erf) = vrcp.f32 v53  }
0x1cb: {  	(erf) = vpow2.f32 v10;
	v10 =	vmul.f32 $1.442695020e+00, v16  }
0x1cc: {  	(erf) = vpow2.f32 v8  }
0x1cd: {  	(erf) = vpow2.f32 v10;
	_ =	sdelay $0x4  }
0x1ce: {  	v8 =	vpop (erf)  }
0x1cf: {  	v10 =	vpop (erf)  }
0x1d0: {  	v54 =	vpop (erf)  }
0x1d1: {  	v55 =	vpop (erf)  }
0x1d2: {  	v12 =	vadd.f32 $1.000000000e+00, v12;
	v56 =	vadd.f32 $1.000000000e+00, v54;
	v57 =	vpop (erf)  }
0x1d3: {  	v17 =	vadd.f32 $1.000000000e+00, v55;
	v58 =	vadd.f32 $1.000000000e+00, v57  }
0x1d4: {  	v19 =	vmul.f32 v56, v12  }
0x1d5: {  	v21 =	vmul.f32 v58, v17  }
0x1d6: {  	(erf) = vrcp.f32 v19  }
0x1d7: {  	(erf) = vrcp.f32 v21;
	_ =	sdelay $0x2  }
0x1d8: {  	v4 =	vadd.f32 v5, v4  }
0x1d9: {  	v5 =	vmul.f32 v11, v6;
	v6 =	vadd.f32 v18, v13  }
0x1da: {  	v7 =	vmul.f32 v9, v7;
	v4 =	vmul.f32 v8, v4;
	_ =	sdelay $0x1  }
0x1db: {  	v0 =	vsel vm0, v7, v0;
	v7 =	vadd.f32 v54, v12  }
0x1dc: {  	[tilespmem:s31+$0xFFFFFFF0] =	vst v0;
	v0 =	vsel vm0, v5, v1;
	v1 =	vmul.f32 v10, v6;
	v5 =	vadd.f32 v57, v17;
	v6 =	vpop (erf)  }
0x1dd: {  	s0 =	sadd.s32 $0x20, s30;
	[tilespmem:s31+$0x0] =	vst v0;
	v0 =	vsel vm0, v4, v3;
	v3 =	vmul.f32 v6, v7;
	v4 =	vpop (erf)  }
0x1de: {  	[tilespmem:s0+$0xFFFFFFF0] =	vst v0;
	v0 =	vsel vm0, v1, v2;
	v1 =	vmul.f32 v4, v5  }
0x1df: {  	s1 =	sadd.s32 $0x20, s0;
	[tilespmem:s0+$0x0] =	vst v0;
	v0 =	vsel vm0, v3, v15  }
0x1e0: {  	[tilespmem:s1+$0xFFFFFFF0] =	vst v0;
	v0 =	vsel vm0, v1, v14  }
0x1e1: {  	s9 =	sadd.s32 $0x100, s7;
	[tilespmem:s1+$0x0] =	vst v0  }
0x1e2: {  	[hbm4b:s9+s3] =	stream.linear.scatter [tilespmem:s24], [sflag:$0x6], $0x80, $0x38;
	[tilespmem:$0xC80] =	vst v63  }
0x1e3: {  	_ =	swait.ge [sflag:s25], $0x80  }
0x1e4: {  	[sflag:s25] =	ssyncset.done $0x0  }
0x1e5: {  	s1 =	simm.s32 $0x200;
	[sflag:s25] =	ssyncadd.s32 $0xFFFFFF80  }
0x1e6: {  	v0 =	vld [tilespmem:s1+$0x180]  }
0x1e7: {  	s12 =	simm.s32 $0x990  }
0x1e8: {  	s2 =	simm.s32 $0x180;
	v1 =	vld [tilespmem:s12+$0xFFFFFFF0]  }
0x1e9: {  	s2 =	sand.u32 $0x3FFFFF80, s2;
	v2 =	vld [tilespmem:s12+$0x0]  }
0x1ea: {  	s9 =	sadd.s32 $0x200, s2  }
0x1eb: {  	v3 =	vld [tilespmem:s9+$0x200];
	v0 =	vsub.f32 $0.0e+00, v0;
	_ =	sdelay $0x1  }
0x1ec: {  	v4 =	vld [tilespmem:s1+$0x390];
	v1 =	vsub.f32 $0.0e+00, v1;
	v0 =	vmul.f32 $1.442695020e+00, v0  }
0x1ed: {  	v2 =	vsub.f32 $0.0e+00, v2  }
0x1ee: {  	v5 =	vld [tilespmem:s1+$0x190];
	v1 =	vmul.f32 $1.442695020e+00, v1;
	(erf) = vpow2.f32 v0  }
0x1ef: {  	v2 =	vmul.f32 $1.442695020e+00, v2;
	v0 =	vsub.f32 $0.0e+00, v3  }
0x1f0: {  	(erf) = vpow2.f32 v1  }
0x1f1: {  	v0 =	vmul.f32 $1.442695020e+00, v0;
	(erf) = vpow2.f32 v2;
	v2 =	vsub.f32 $0.0e+00, v4  }
0x1f2: {  	v1 =	vld [tilespmem:s9+$0x400]  }
0x1f3: {  	(erf) = vpow2.f32 v0;
	v0 =	vsub.f32 $0.0e+00, v5;
	v2 =	vmul.f32 $1.442695020e+00, v2;
	_ =	sdelay $0x1  }
0x1f4: {  	v0 =	vmul.f32 $1.442695020e+00, v0  }
0x1f5: {  	(erf) = vpow2.f32 v2  }
0x1f6: {  	v1 =	vsub.f32 $0.0e+00, v1;
	(erf) = vpow2.f32 v0;
	v2 =	vpop (erf)  }
0x1f7: {  	v0 =	vadd.f32 $1.000000000e+00, v2  }
0x1f8: {  	v1 =	vmul.f32 $1.442695020e+00, v1;
	v2 =	vpop (erf)  }
0x1f9: {  	s0 =	simm.s32 $0x220;
	v3 =	vpop (erf);
	(erf) = vrcp.f32 v0  }
0x1fa: {  	v2 =	vadd.f32 $1.000000000e+00, v2;
	v0 =	vadd.f32 $1.000000000e+00, v3;
	(erf) = vpow2.f32 v1;
	v1 =	vld [tilespmem:s0+$0x180]  }
0x1fb: {  	s9 =	simm.s32 $0x9B0;
	v3 =	vpop (erf)  }
0x1fc: {  	v3 =	vadd.f32 $1.000000000e+00, v3;
	(erf) = vrcp.f32 v0;
	v0 =	vld [tilespmem:s9+$0xFFFFFFF0]  }
0x1fd: {  	s12 =	simm.s32 $0x1A0;
	v6 =	vld [tilespmem:s1+$0x590];
	(erf) = vrcp.f32 v2  }
0x1fe: {  	v7 =	vld [tilespmem:s0+$0x390];
	s2 =	sand.u32 $0x3FFFFF80, s12;
	v2 =	vpop (erf);
	(erf) = vrcp.f32 v3  }
0x1ff: {  	s2 =	sadd.s32 $0x220, s2;
	v3 =	vld [tilespmem:s9+$0x0];
	v2 =	vadd.f32 $1.000000000e+00, v2;
	v5 =	vpop (erf);
	v1 =	vsub.f32 $0.0e+00, v1  }
0x200: {  	v4 =	vld [tilespmem:s2+$0x200];
	v5 =	vadd.f32 $1.000000000e+00, v5  }
0x201: {  	(erf) = vrcp.f32 v2;
	v0 =	vsub.f32 $0.0e+00, v0;
	v1 =	vmul.f32 $1.442695020e+00, v1  }
0x202: {  	(erf) = vrcp.f32 v5  }
0x203: {  	v7 =	vsub.f32 $0.0e+00, v7;
	v2 =	vpop (erf);
	v9 =	vmul.f32 $1.442695020e+00, v0;
	(erf) = vpow2.f32 v1  }
0x204: {  	v6 =	vsub.f32 $0.0e+00, v6;
	v5 =	vld [tilespmem:s0+$0x190];
	v3 =	vsub.f32 $0.0e+00, v3;
	v8 =	vpop (erf)  }
0x205: {  	v10 =	vld [tilespmem:s2+$0x400];
	v7 =	vmul.f32 $1.442695020e+00, v7;
	v4 =	vsub.f32 $0.0e+00, v4;
	v1 =	vpop (erf)  }
0x206: {  	v6 =	vmul.f32 $1.442695020e+00, v6;
	v3 =	vmul.f32 $1.442695020e+00, v3;
	v0 =	vpop (erf)  }
0x207: {  	v4 =	vmul.f32 $1.442695020e+00, v4;
	(erf) = vpow2.f32 v9;
	v9 =	vpop (erf)  }
0x208: {  	(erf) = vpow2.f32 v3;
	v3 =	vmul.f32 $8.000000000e+00, v9;
	v9 =	vadd.f32 $-5.000000000e-01, v0  }
0x209: {  	v2 =	vmul.f32 $4.000000000e+00, v2;
	v5 =	vsub.f32 $0.0e+00, v5;
	(erf) = vpow2.f32 v4  }
0x20a: {  	v3 =	vadd.f32 $-4.000000000e+00, v3;
	v4 =	vmul.f32 $8.000000000e+00, v9;
	v9 =	vsub.f32 $0.0e+00, v10;
	v10 =	vpop (erf)  }
0x20b: {  	v5 =	vmul.f32 $1.442695020e+00, v5;
	(erf) = vpow2.f32 v7;
	v7 =	vpop (erf)  }
0x20c: {  	v2 =	vmul.f32 $-1.702000020e+00, v2;
	v3 =	vsub.f32 v4, v3;
	v4 =	vmul.f32 $8.000000000e+00, v10;
	v10 =	vpop (erf)  }
0x20d: {  	v11 =	vadd.f32 $-5.000000000e-01, v1;
	(erf) = vpow2.f32 v5;
	v10 =	vadd.f32 $1.000000000e+00, v10  }
0x20e: {  	v9 =	vmul.f32 $1.442695020e+00, v9;
	v2 =	vmul.f32 v3, v2  }
0x20f: {  	v7 =	vmul.f32 $4.000000000e+00, v7;
	v3 =	vadd.f32 $-4.000000000e+00, v4;
	v4 =	vmul.f32 $8.000000000e+00, v11  }
0x210: {  	v5 =	vpop (erf);
	(erf) = vrcp.f32 v10;
	v2 =	vmul.f32 $1.442695020e+00, v2  }
0x211: {  	v7 =	vmul.f32 $-1.702000020e+00, v7;
	(erf) = vpow2.f32 v9;
	v3 =	vsub.f32 v4, v3;
	v4 =	vld [tilespmem:s0+$0x590];
	v10 =	vpop (erf)  }
0x212: {  	s0 =	simm.s32 $0x240;
	v9 =	vadd.f32 $1.000000000e+00, v10;
	(erf) = vpow2.f32 v2  }
0x213: {  	v2 =	vadd.f32 $1.000000000e+00, v5;
	v10 =	vld [tilespmem:s0+$0x180];
	(erf) = vpow2.f32 v6  }
0x214: {  	v5 =	vpop (erf);
	v3 =	vmul.f32 v3, v7;
	v6 =	vld [tilespmem:s0+$0x190];
	(erf) = vrcp.f32 v9  }
0x215: {  	s12 =	simm.s32 $0x9D0;
	s9 =	simm.s32 $0x1C0;
	v5 =	vadd.f32 $1.000000000e+00, v5;
	v7 =	vpop (erf);
	v9 =	vld [tilespmem:s0+$0x390];
	(erf) = vrcp.f32 v2  }
0x216: {  	s1 =	sand.u32 $0x3FFFFF80, s9;
	v2 =	vmul.f32 $1.442695020e+00, v3;
	v3 =	vadd.f32 $1.000000000e+00, v7;
	v7 =	vld [tilespmem:s12+$0xFFFFFFF0];
	v4 =	vsub.f32 $0.0e+00, v4  }
0x217: {  	s1 =	sadd.s32 $0x240, s1;
	v11 =	vld [tilespmem:s12+$0x0];
	(erf) = vrcp.f32 v5  }
0x218: {  	v13 =	vld [tilespmem:s1+$0x400];
	(erf) = vpow2.f32 v2;
	v2 =	vsub.f32 $0.0e+00, v10  }
0x219: {  	v15 =	vadd.f32 $1.000000000e+00, v8;
	v12 =	vpop (erf);
	v10 =	vld [tilespmem:s1+$0x200];
	v5 =	vmul.f32 $1.442695020e+00, v4;
	(erf) = vrcp.f32 v3  }
0x21a: {  	v3 =	vsub.f32 $0.0e+00, v6;
	v6 =	vadd.f32 $1.000000000e+00, v12;
	v4 =	vpop (erf);
	v2 =	vmul.f32 $1.442695020e+00, v2  }
0x21b: {  	v8 =	vsub.f32 $0.0e+00, v9;
	v9 =	vmul.f32 $4.000000000e+00, v4;
	v7 =	vsub.f32 $0.0e+00, v7  }
0x21c: {  	v4 =	vpop (erf);
	v12 =	vmul.f32 $1.442695020e+00, v3;
	(erf) = vrcp.f32 v6;
	v3 =	vsub.f32 $0.0e+00, v11  }
0x21d: {  	v13 =	vsub.f32 $0.0e+00, v13;
	v59 =	vpop (erf);
	v7 =	vmul.f32 $1.442695020e+00, v7  }
0x21e: {  	(erf) = vpow2.f32 v2;
	v11 =	vpop (erf);
	v10 =	vsub.f32 $0.0e+00, v10;
	v14 =	vmul.f32 $1.442695020e+00, v3  }
0x21f: {  	v63 =	vmul.f32 $1.442695020e+00, v13;
	v8 =	vmul.f32 $1.442695020e+00, v8;
	v6 =	vadd.f32 $1.000000000e+00, v59;
	v2 =	vpop (erf)  }
0x220: {  	v60 =	vld [tilespmem:s0+$0x590];
	v3 =	vpop (erf);
	v10 =	vmul.f32 $1.442695020e+00, v10;
	(erf) = vpow2.f32 v7  }
0x221: {  	v6 =	vmul.f32 v6, v15;
	(erf) = vpow2.f32 v14;
	v7 =	vpop (erf)  }
0x222: {  	(erf) = vpow2.f32 v10;
	v10 =	vadd.f32 $-5.000000000e-01, v3;
	v7 =	vmul.f32 $8.000000000e+00, v7;
	v14 =	vpop (erf)  }
0x223: {  	v11 =	vadd.f32 $1.000000000e+00, v11;
	(erf) = vrcp.f32 v6;
	v62 =	vadd.f32 $1.000000000e+00, v14  }
0x224: {  	v9 =	vmul.f32 $-1.702000020e+00, v9;
	v61 =	vpop (erf);
	v6 =	vadd.f32 $-4.000000000e+00, v7;
	v7 =	vmul.f32 $8.000000000e+00, v10  }
0x225: {  	v17 =	vsub.f32 $0.0e+00, v60;
	(erf) = vpow2.f32 v8;
	v8 =	vpop (erf);
	v10 =	vmul.f32 v62, v11  }
0x226: {  	v13 =	vadd.f32 $-5.000000000e-01, v2;
	v8 =	vmul.f32 $4.000000000e+00, v8;
	v7 =	vsub.f32 v7, v6  }
0x227: {  	v18 =	vmul.f32 $8.000000000e+00, v61;
	v6 =	vadd.f32 v14, v11;
	v11 =	vpop (erf);
	(erf) = vrcp.f32 v10  }
0x228: {  	v14 =	vadd.f32 $1.000000000e+00, v11;
	v7 =	vmul.f32 v7, v9;
	v9 =	vmul.f32 $8.000000000e+00, v13  }
0x229: {  	v18 =	vadd.f32 $-4.000000000e+00, v18;
	v11 =	vmul.f32 $-1.702000020e+00, v8;
	(erf) = vpow2.f32 v12;
	v10 =	vpop (erf)  }
0x22a: {  	(erf) = vrcp.f32 v14;
	v10 =	vadd.f32 $1.000000000e+00, v10;
	v8 =	vpop (erf);
	v7 =	vmul.f32 $1.442695020e+00, v7  }
0x22b: {  	s30 =	simm.s32 $0xB90;
	s31 =	simm.s32 $0xB90;
	s2 =	simm.s32 $0x9F0;
	(erf) = vpow2.f32 v63;
	v14 =	vsub.f32 v9, v18;
	v12 =	vadd.f32 $1.000000000e+00, v8;
	v13 =	vpop (erf)  }
0x22c: {  	s9 =	simm.s32 $0x260;
	s0 =	simm.s32 $0x1E0;
	s1 =	simm.s32 $0x1C0;
	v8 =	vmul.f32 $1.442695020e+00, v17;
	(erf) = vpow2.f32 v7;
	v7 =	vadd.f32 v59, v15;
	v9 =	vpop (erf)  }
.LBB2_8:
0x22d: {  	v15 =	vld [tilespmem:s9+$0x180];
	s12 =	sand.u32 $0x3FFFFF80, s0;
	s1 =	sadd.s32 $0x20, s1;
	v16 =	vmul.f32 v14, v11;
	(erf) = vpow2.f32 v5;
	s30 =	sadd.s32 $0x20, s30  }
0x22e: {  	v13 =	vadd.f32 $1.000000000e+00, v13;
	s12 =	sadd.s32 s9, s12;
	v14 =	vld [tilespmem:s9+$0x190];
	p0 =	slt.u32 s1, $0x1E0;
	(erf) = vrcp.f32 v12;
	v5 =	vpop (erf);
	v7 =	vmul.f32 v9, v7  }
0x22f: {  	v9 =	vld [tilespmem:s9+$0x390];
	v12 =	vadd.f32 $1.000000000e+00, v5;
	(erf) = vrcp.f32 v10;
	v10 =	vmul.f32 $1.442695020e+00, v16;
	v5 =	vmovc v8  }
0x230: {  	v8 =	vld [tilespmem:s2+$0xFFFFFFF0];
	(erf) = vrcp.f32 v13;
	v7 =	vsel vm0, v7, v0;
	v11 =	vpop (erf);
	v0 =	vmov v3  }
0x231: {  	v3 =	vld [tilespmem:s2+$0x0];
	(erf) = vpow2.f32 v10;
	v6 =	vmul.f32 v11, v6  }
0x232: {  	v10 =	vsub.f32 $0.0e+00, v15;
	v11 =	vld [tilespmem:s12+$0x200];
	v13 =	vpop (erf);
	(erf) = vrcp.f32 v12;
	v15 =	vadd.f32 $1.000000000e+00, v4;
	[tilespmem:s31+$0xFFFFFFF0] =	vst v7  }
0x233: {  	v7 =	vld [tilespmem:s12+$0x400];
	v17 =	vsub.f32 $0.0e+00, v14;
	v13 =	vadd.f32 $1.000000000e+00, v13;
	v4 =	vpop (erf);
	v1 =	vsel vm0, v6, v1  }
0x234: {  	v6 =	vmul.f32 $1.442695020e+00, v10;
	v9 =	vsub.f32 $0.0e+00, v9;
	v10 =	vld [tilespmem:s9+$0x590];
	v14 =	vmul.f32 $4.000000000e+00, v4;
	v4 =	vpop (erf);
	[tilespmem:s31+$0x0] =	vst v1;
	s31 =	smov.u32 s30  }
0x235: {  	v1 =	vsub.f32 $0.0e+00, v8;
	v8 =	vmul.f32 $1.442695020e+00, v17;
	(erf) = vrcp.f32 v13;
	v16 =	vpop (erf)  }
0x236: {  	v18 =	vsub.f32 $0.0e+00, v3;
	(erf) = vpow2.f32 v6;
	v6 =	vadd.f32 $1.000000000e+00, v16;
	v12 =	vpop (erf)  }
0x237: {  	v9 =	vmul.f32 $1.442695020e+00, v9;
	v19 =	vmul.f32 $1.442695020e+00, v1;
	v11 =	vsub.f32 $0.0e+00, v11;
	v13 =	vpop (erf)  }
0x238: {  	v7 =	vsub.f32 $0.0e+00, v7;
	v20 =	vmul.f32 $1.442695020e+00, v18;
	v3 =	vpop (erf);
	v6 =	vmul.f32 v6, v15  }
0x239: {  	v11 =	vmul.f32 $1.442695020e+00, v11;
	v18 =	vsub.f32 $0.0e+00, v10;
	(erf) = vpow2.f32 v19;
	v1 =	vpop (erf)  }
0x23a: {  	v10 =	vadd.f32 $1.000000000e+00, v12;
	(erf) = vpow2.f32 v20;
	v21 =	vmul.f32 $8.000000000e+00, v1;
	v12 =	vpop (erf)  }
0x23b: {  	(erf) = vpow2.f32 v11;
	v11 =	vadd.f32 $-5.000000000e-01, v3;
	v17 =	vpop (erf);
	v19 =	vadd.f32 $1.000000000e+00, v12  }
0x23c: {  	v1 =	vmovc v2;
	v2 =	vmovc v13;
	v20 =	vadd.f32 $-4.000000000e+00, v21;
	v17 =	vmul.f32 $8.000000000e+00, v17;
	(erf) = vrcp.f32 v6  }
0x23d: {  	v6 =	vadd.f32 v12, v10;
	v11 =	vmul.f32 $8.000000000e+00, v11;
	v10 =	vmul.f32 v19, v10  }
0x23e: {  	v7 =	vmul.f32 $1.442695020e+00, v7;
	(erf) = vpow2.f32 v9;
	v9 =	vpop (erf)  }
0x23f: {  	v13 =	vmul.f32 $-1.702000020e+00, v14;
	v14 =	vadd.f32 $-5.000000000e-01, v2;
	v12 =	vpop (erf);
	v11 =	vsub.f32 v11, v20  }
0x240: {  	v17 =	vadd.f32 $-4.000000000e+00, v17;
	v9 =	vmul.f32 $4.000000000e+00, v9;
	(erf) = vrcp.f32 v10  }
.Ltmp3:
0x241: {  	v14 =	vmul.f32 $8.000000000e+00, v14;
	v12 =	vadd.f32 $1.000000000e+00, v12;
	v19 =	vmul.f32 v11, v13;
	(pc) =	sbr.rel @p0 .LBB2_8-.Ltmp3, $4  }
0x242: {  	v11 =	vmul.f32 $-1.702000020e+00, v9;
	v10 =	vpop (erf);
	(erf) = vpow2.f32 v8  }
0x243: {  	v10 =	vadd.f32 $1.000000000e+00, v10;
	(erf) = vrcp.f32 v12;
	v8 =	vpop (erf);
	v19 =	vmul.f32 $1.442695020e+00, v19  }
0x244: {  	v14 =	vsub.f32 v14, v17;
	v12 =	vadd.f32 $1.000000000e+00, v8;
	v13 =	vpop (erf);
	(erf) = vpow2.f32 v7  }
0x245: {  	s0 =	sadd.s32 $0x20, s0;
	s2 =	sadd.s32 $0x20, s2;
	s9 =	sadd.s32 $0x20, s9;
	v8 =	vmul.f32 $1.442695020e+00, v18;
	v7 =	vadd.f32 v16, v15;
	(erf) = vpow2.f32 v19;
	v9 =	vpop (erf)  }
0x246: {  	_ = 	snop  }
0x247: {  	(erf) = vpow2.f32 v5;
	v27 =	vmul.f32 v14, v11  }
0x248: {  	v28 =	vadd.f32 $1.000000000e+00, v13;
	(erf) = vrcp.f32 v12  }
0x249: {  	v29 =	vpop (erf);
	(erf) = vrcp.f32 v10;
	v5 =	vmul.f32 $1.442695020e+00, v27  }
0x24a: {  	v10 =	vadd.f32 $1.000000000e+00, v29;
	(erf) = vrcp.f32 v28;
	v30 =	vpop (erf)  }
0x24b: {  	(erf) = vpow2.f32 v5;
	v31 =	vpop (erf)  }
0x24c: {  	(erf) = vrcp.f32 v10;
	v5 =	vadd.f32 $1.000000000e+00, v31  }
0x24d: {  	v32 =	vpop (erf)  }
0x24e: {  	v33 =	vpop (erf);
	(erf) = vrcp.f32 v5  }
0x24f: {  	v34 =	vpop (erf)  }
0x250: {  	v35 =	vpop (erf)  }
0x251: {  	v36 =	vpop (erf)  }
0x252: {  	v15 =	vpop (erf)  }
0x253: {  	v16 =	vpop (erf)  }
0x254: {  	v17 =	vadd.f32 $-5.000000000e-01, v15;
	v16 =	vmul.f32 $8.000000000e+00, v16;
	v18 =	vpop (erf)  }
0x255: {  	v4 =	vadd.f32 $1.000000000e+00, v4;
	v10 =	vmul.f32 $4.000000000e+00, v32;
	v20 =	vadd.f32 $-5.000000000e-01, v36;
	v19 =	vpop (erf)  }
0x256: {  	v17 =	vmul.f32 $8.000000000e+00, v17;
	v16 =	vadd.f32 $-4.000000000e+00, v16;
	v19 =	vmul.f32 $8.000000000e+00, v19  }
0x257: {  	v21 =	vadd.f32 $1.000000000e+00, v34;
	v10 =	vmul.f32 $-1.702000020e+00, v10;
	v20 =	vmul.f32 $8.000000000e+00, v20;
	v22 =	vpop (erf)  }
0x258: {  	v16 =	vsub.f32 v17, v16;
	v19 =	vadd.f32 $-4.000000000e+00, v19;
	v37 =	vmul.f32 $4.000000000e+00, v22  }
0x259: {  	v13 =	vadd.f32 $1.000000000e+00, v35;
	v21 =	vmul.f32 v21, v4;
	v38 =	vadd.f32 $1.000000000e+00, v18  }
0x25a: {  	v10 =	vmul.f32 v16, v10;
	v40 =	vsub.f32 v20, v19;
	v39 =	vmul.f32 $-1.702000020e+00, v37  }
0x25b: {  	(erf) = vrcp.f32 v21;
	v41 =	vmul.f32 v38, v13  }
0x25c: {  	v10 =	vmul.f32 $1.442695020e+00, v10;
	v16 =	vmul.f32 v40, v39  }
0x25d: {  	(erf) = vrcp.f32 v41  }
0x25e: {  	(erf) = vpow2.f32 v10;
	v42 =	vmul.f32 $1.442695020e+00, v16  }
0x25f: {  	(erf) = vpow2.f32 v8  }
0x260: {  	(erf) = vpow2.f32 v42;
	_ =	sdelay $0x4  }
0x261: {  	v43 =	vpop (erf)  }
0x262: {  	v44 =	vpop (erf)  }
0x263: {  	v45 =	vpop (erf)  }
0x264: {  	v46 =	vpop (erf)  }
0x265: {  	v12 =	vadd.f32 $1.000000000e+00, v33;
	v47 =	vadd.f32 $1.000000000e+00, v45;
	v48 =	vpop (erf)  }
0x266: {  	v17 =	vadd.f32 $1.000000000e+00, v46;
	v49 =	vadd.f32 $1.000000000e+00, v48  }
0x267: {  	v19 =	vmul.f32 v47, v12  }
0x268: {  	v21 =	vmul.f32 v49, v17  }
0x269: {  	(erf) = vrcp.f32 v19  }
0x26a: {  	(erf) = vrcp.f32 v21;
	_ =	sdelay $0x4  }
0x26b: {  	v7 =	vmul.f32 v9, v7;
	v4 =	vadd.f32 v34, v4  }
0x26c: {  	v50 =	vmul.f32 v30, v6;
	v51 =	vadd.f32 v18, v13  }
0x26d: {  	v0 =	vsel vm0, v7, v0;
	v4 =	vmul.f32 v43, v4;
	v52 =	vadd.f32 v45, v12  }
0x26e: {  	[tilespmem:s31+$0xFFFFFFF0] =	vst v0;
	v53 =	vsel vm0, v50, v1;
	v54 =	vmul.f32 v44, v51;
	v55 =	vadd.f32 v48, v17;
	v56 =	vpop (erf)  }
0x26f: {  	s0 =	sadd.s32 $0x20, s30;
	[tilespmem:s31+$0x0] =	vst v53;
	v57 =	vsel vm0, v4, v3;
	v58 =	vmul.f32 v56, v52;
	v59 =	vpop (erf)  }
0x270: {  	[tilespmem:s0+$0xFFFFFFF0] =	vst v57;
	v60 =	vsel vm0, v54, v2;
	v61 =	vmul.f32 v59, v55  }
0x271: {  	s1 =	sadd.s32 $0x20, s0;
	[tilespmem:s0+$0x0] =	vst v60;
	v62 =	vsel vm0, v58, v15  }
0x272: {  	[tilespmem:s1+$0xFFFFFFF0] =	vst v62;
	v63 =	vsel vm0, v61, v36  }
0x273: {  	s31 =	sadd.s32 $0x180, s7;
	[tilespmem:s1+$0x0] =	vst v63  }
0x274: {  	[hbm4b:s31+s3] =	stream.linear.scatter [tilespmem:s26], [sflag:$0x6], $0x80, $0x38;
	[tilespmem:$0xC80] =	vst v63  }
0x275: {  	_ =	swait.ge [sflag:s28], $0x80  }
0x276: {  	[sflag:s28] =	ssyncset.done $0x0  }
0x277: {  	[sflag:s28] =	ssyncadd.s32 $0xFFFFFF80  }
0x278: {  	_ =	swait.ge [sflag:s28], $0x80  }
0x279: {  	[sflag:s28] =	ssyncset.done $0x0  }
0x27a: {  	s29 =	sadd.s32 $0x1, s29;
	[sflag:s28] =	ssyncadd.s32 $0xFFFFFF80  }
0x27b: {  	p0 =	sne.s32 s29, s8;
	_ =	swait.ge [sflag:s28], $0x80  }
.Ltmp4:
0x27c: {  	[sflag:s28] =	ssyncset.done $0x0;
	(pc) =	sbr.rel @p0 .LBB2_1-.Ltmp4, $4  }
0x27d: {  	[sflag:s28] =	ssyncadd.s32 $0xFFFFFF80  }
0x27e: {  	_ =	swait.ge [sflag:s28], $0x80  }
0x27f: {  	[sflag:s28] =	ssyncset.done $0x0  }
0x280: {  	[sflag:s28] =	ssyncadd.s32 $0xFFFFFF80  }
0x281: {  	_ =	sfence.sel $0x180000  }
0x282: {  	[bflag:$0x0] =	sbarrier.arrive $0xFFFF  }
0x283: {  	_ =	strace $0x9000004A  }
0x284: {  	s0 =	stileid.u32;
	[bflag:$0x2] =	sbarrier.arrive $0xFFFF  }
0x285: {  	p0 =	sne.s32 s0, $0x0;
	s0 =	rddreg [dreg:$0x3]  }
0x286: {  	s0 =	sadd.s32 @!p0 $0x100000, s0  }
0x287: {  	[sflag:s0] =	ssyncadd.tile.s32 @!p0 $0x1;
	_ =	shalt  }
.Lfunc_end2:
_tile_overlayer_lowered:
.L_overlay_start_2:
0x288: {  	(tag) =	ssettag $0x2  }
0x289: {  	s0 =	rddreg [dreg:$0x0];
	s2 =	stileid.u32  }
0x28a: {  	s1 =	rddreg [dreg:$0x1];
	p0 =	sne.s32 s2, $0x0  }
0x28b: {  	s3 =	rddreg [dreg:$0x2];
	[bflag:$0x3] =	sbarrier.arrive $0xFFFF;
	s2 =	simm.s32 @!p0 $0x1C07  }
0x28c: {  	[timem:s3], [sflag:s2] =	dma.local @!p0 [hbm:s0], s1  }
0x28d: {  	s0 =	simm.s32 @!p0 $0x7  }
0x28e: {  	_ =	swait.ge @!p0 [sflag:s0], s1  }
0x28f: {  	s1 =	ssub.s32 @!p0 $0x0, s1;
	[sflag:s0] =	ssyncset.done @!p0 $0x0  }
0x290: {  	[sflag:s0] =	ssyncadd.s32 @!p0 s1  }
0x291: {  	[bflag:$0x3] =	sbarrier.arrive $0xFFFF  }
0x292: {  	_ =	shalt  }

</sc_bundles>
